<compile_context>
chip_gen: v7x
topology: tpu7x:2x2x1
jax: 0.10.2.dev20260603
libtpu: 0.0.44.dev20260713+nightly
codegen_flags: <defaults>
</compile_context>

<pallas_src>
import functools

import jax
import jax.numpy as jnp
from jax import lax
from jax.experimental import pallas as pl
from jax.experimental.pallas import tpu as pltpu
from jax.experimental.pallas import tpu_sc as plsc

_L = 16
_NS = 16
_EPS = 1e-5
_LN2 = 0.6931471805599453


def _vlog(x):
    bits = lax.bitcast_convert_type(x, jnp.int32)
    e = (bits >> 23) - 127
    m = lax.bitcast_convert_type((bits & 0x007FFFFF) | 0x3F800000, jnp.float32)
    t = (m - 1.0) / (m + 1.0)
    t2 = t * t
    p = 2.0 * t * (1.0 + t2 * (1.0 / 3.0 + t2 * (0.2 + t2 * (1.0 / 7.0
                   + t2 * (1.0 / 9.0)))))
    return e.astype(jnp.float32) * _LN2 + p


def _term(tau, dtv):
    return -_vlog(tau) - (dtv + _EPS) / tau


def _make_sc_call(n, nseg, denom):
    chunk = n // _NS
    mesh = plsc.VectorSubcoreMesh(
        core_axis_name="c", subcore_axis_name="s", num_cores=1,
        num_subcores=_NS)

    @functools.partial(
        pl.kernel,
        out_type=jax.ShapeDtypeStruct((1,), jnp.float32),
        mesh=mesh,
        compiler_params=pltpu.CompilerParams(needs_layout_passes=False),
        scratch_types=dict(
            tau_v=pltpu.VMEM((chunk,), jnp.float32),
            dt_v=pltpu.VMEM((chunk,), jnp.float32),
            off_v=pltpu.VMEM((_L,), jnp.int32),
            ilo_v=pltpu.VMEM((_L,), jnp.int32),
            ihi_v=pltpu.VMEM((_L,), jnp.int32),
            g_tlo=pltpu.VMEM((_L,), jnp.float32),
            g_thi=pltpu.VMEM((_L,), jnp.float32),
            g_dlo=pltpu.VMEM((_L,), jnp.float32),
            g_dhi=pltpu.VMEM((_L,), jnp.float32),
            acc_v=pltpu.VMEM((_L,), jnp.float32),
            red_v=pltpu.VMEM((_NS * _L,), jnp.float32),
            out_v=pltpu.VMEM((1,), jnp.float32),
            shared=pltpu.VMEM_SHARED((_NS * _L,), jnp.float32),
            sem_chunk=pltpu.SemaphoreType.DMA,
            sem_se=pltpu.SemaphoreType.DMA,
            sem_g=pltpu.SemaphoreType.DMA,
        ),
    )
    def sc_loss(tau_hbm, dt_hbm, off_hbm, out_hbm, *, tau_v, dt_v, off_v,
                ilo_v, ihi_v, g_tlo, g_thi, g_dlo, g_dhi, acc_v, red_v,
                out_v, shared, sem_chunk, sem_se, sem_g):
        sid = lax.axis_index("s")
        is_w0 = sid == 0

        base = sid * chunk
        c_tau = pltpu.async_copy(tau_hbm.at[pl.ds(base, chunk)], tau_v,
                                 sem_chunk)
        c_dt = pltpu.async_copy(dt_hbm.at[pl.ds(base, chunk)], dt_v,
                                sem_chunk)

        @pl.when(is_w0)
        def _prefetch_offsets():
            pltpu.async_copy(off_hbm, off_v.at[pl.ds(0, nseg + 1)], sem_se)

        c_tau.wait()
        c_dt.wait()

        @plsc.parallel_loop(0, chunk, step=_L, unroll=4,
                            carry=jnp.zeros((_L,), jnp.float32))
        def _dense(k, acc):
            tv = tau_v[pl.ds(k, _L)]
            dv = dt_v[pl.ds(k, _L)]
            return acc + _term(tv, dv)

        acc_v[...] = _dense

        def _bounds():
            iot = lax.iota(jnp.int32, _L)
            sv = plsc.load_gather(off_v, [jnp.minimum(iot, nseg)])
            ev = plsc.load_gather(off_v, [jnp.minimum(iot + 1, nseg)])
            return sv, ev

        @pl.when(is_w0)
        def _fire_gathers():
            pltpu.make_async_copy(off_hbm, off_v.at[pl.ds(0, nseg + 1)],
                                  sem_se).wait()
            sv, ev = _bounds()
            ilo_v[...] = jnp.minimum(sv, n - 1)
            ihi_v[...] = jnp.maximum(ev - 1, 0)
            pltpu.async_copy(tau_hbm.at[ilo_v], g_tlo, sem_g)
            pltpu.async_copy(tau_hbm.at[ihi_v], g_thi, sem_g)
            pltpu.async_copy(dt_hbm.at[ilo_v], g_dlo, sem_g)
            pltpu.async_copy(dt_hbm.at[ihi_v], g_dhi, sem_g)

        @pl.when(jnp.logical_not(is_w0))
        def _stage():
            pltpu.sync_copy(acc_v, shared.at[pl.ds(sid * _L, _L)])

        plsc.subcore_barrier()

        @pl.when(is_w0)
        def _finalize():
            pltpu.sync_copy(shared.at[pl.ds(_L, (_NS - 1) * _L)],
                            red_v.at[pl.ds(_L, (_NS - 1) * _L)])
            tot = acc_v[...]
            for r in range(1, _NS):
                tot = tot + red_v[pl.ds(r * _L, _L)]
            pltpu.make_async_copy(tau_hbm.at[ilo_v], g_tlo, sem_g).wait()
            pltpu.make_async_copy(tau_hbm.at[ihi_v], g_thi, sem_g).wait()
            pltpu.make_async_copy(dt_hbm.at[ilo_v], g_dlo, sem_g).wait()
            pltpu.make_async_copy(dt_hbm.at[ihi_v], g_dhi, sem_g).wait()
            sv, ev = _bounds()
            zero = jnp.zeros((_L,), jnp.float32)
            mlo = ev > sv
            mhi = (ev - sv) >= 2
            corr = (jnp.where(mlo, _term(g_tlo[...], g_dlo[...]), zero)
                    + jnp.where(mhi, _term(g_thi[...], g_dhi[...]), zero))
            final = jnp.sum(corr - tot) * (1.0 / denom)
            lane0 = lax.iota(jnp.int32, _L) == 0
            plsc.store_scatter(out_v, [jnp.zeros((_L,), jnp.int32)],
                               jnp.broadcast_to(final, (_L,)), mask=lane0)
            pltpu.sync_copy(out_v, out_hbm)

    return sc_loss


def kernel(pred_next_dt, next_dt, dt, offsets):
    tau = lax.stop_gradient(pred_next_dt)
    n = tau.shape[0]
    nseg = offsets.shape[0] - 1
    out = _make_sc_call(n, nseg, float(offsets.shape[0]))(
        tau, dt[:, 0], offsets)
    loss = out.reshape(())
    return (loss, loss)

# --- scband reference (transcript-rebuilt; emitter-appended) ---
"""Pipeline reference for scband-tau-loss-14491219657065 (READ-ONLY COPY).

The authoritative reference and input builder live on the scoring server;
editing this copy changes nothing except your own understanding.
"""

import jax, jax.numpy as jnp
import numpy as np


def setup_inputs(seed: int = 0) -> dict:
    key = jax.random.key(seed)
    k1, k2, k3, k4 = jax.random.split(key, 4)
    N = 8192
    B = 8
    # tau = y_pred['next_dt'] must be strictly positive (it is the mean of an Exponential)
    pred_next_dt = jax.random.uniform(k1, (N,), dtype=jnp.float32, minval=0.1, maxval=2.1)
    next_dt = jax.random.uniform(k2, (N, 1), dtype=jnp.float32, minval=0.1, maxval=2.1)
    dt = jax.random.uniform(k3, (N, 1), dtype=jnp.float32, minval=0.0, maxval=2.0)
    # ragged sequence boundaries: offsets[0]=0, offsets[-1]=N, interior sorted cut points
    inner = jnp.sort(jax.random.randint(k4, (B - 1,), 1, N))
    offsets = jnp.concatenate([jnp.array([0]), inner, jnp.array([N])]).astype(jnp.int32)
    return {"pred_next_dt": pred_next_dt, "next_dt": next_dt, "dt": dt, "offsets": offsets}


def reference(pred_next_dt, next_dt, dt, offsets):
    # y_pred = {'next_dt': pred_next_dt}; target = {'offsets': offsets, 'next_dt': next_dt, 'dt': dt}
    eps = 1e-05
    # tau = y_pred['next_dt'].detach()
    tau = jax.lax.stop_gradient(pred_next_dt)
    N = pred_next_dt.shape[0]
    idx = jnp.arange(N, dtype=jnp.int32)
    rate = 1.0 / tau                        # Exponential rate, [N]
    # Exponential.log_prob diagonal term: log(rate[i]) - rate[i] * (dt[i] + eps)
    term = jnp.log(rate) - rate * (dt[:, 0] + eps)
    B = offsets.shape[0] - 1

    def body(j, loss):
        s = offsets[j]
        e = offsets[j + 1]
        mask = (idx >= s + 1) & (idx <= e - 2)
        return loss - jnp.sum(jnp.where(mask, term, jnp.float32(0.0)))

    loss = jax.lax.fori_loop(0, B, body, jnp.float32(0.0))
    final_loss = loss / offsets.shape[0]
    # original returns (final_loss, {'dt': final_loss}); dict replaced by a second array
    return (final_loss, final_loss)

if __name__ == "__main__":
    import jax
    _d = setup_inputs()
    print(jax.jit(kernel)(*tuple(_d.values())))

</pallas_src>

<mosaic_0001>
#map = affine_map<(d0, d1) -> (0)>
module attributes {stable_mosaic.version = 14 : i64} {
  func.func @sc_loss(%arg0: i32, %arg1: i32, %arg2: memref<8192xf32, #tpu.memory_space<hbm>>, %arg3: memref<8192xf32, #tpu.memory_space<hbm>>, %arg4: memref<9xi32, #tpu.memory_space<hbm>>, %arg5: memref<1xf32, #tpu.memory_space<hbm>>, %arg6: memref<16xf32, #tpu.memory_space<vmem>>, %arg7: memref<512xf32, #tpu.memory_space<vmem>>, %arg8: memref<16xf32, #tpu.memory_space<vmem>>, %arg9: memref<16xf32, #tpu.memory_space<vmem>>, %arg10: memref<16xf32, #tpu.memory_space<vmem>>, %arg11: memref<16xf32, #tpu.memory_space<vmem>>, %arg12: memref<16xi32, #tpu.memory_space<vmem>>, %arg13: memref<16xi32, #tpu.memory_space<vmem>>, %arg14: memref<16xi32, #tpu.memory_space<vmem>>, %arg15: memref<1xf32, #tpu.memory_space<vmem>>, %arg16: memref<256xf32, #tpu.memory_space<vmem>>, %arg17: memref<!tpu.dma_semaphore, #tpu.memory_space<semaphore_mem>>, %arg18: memref<!tpu.dma_semaphore, #tpu.memory_space<semaphore_mem>>, %arg19: memref<!tpu.dma_semaphore, #tpu.memory_space<semaphore_mem>>, %arg20: memref<256xf32, #tpu.memory_space<vmem_shared>>, %arg21: memref<512xf32, #tpu.memory_space<vmem>>) attributes {dimension_semantics = [#tpu.dimension_semantics<core_parallel>, #tpu.dimension_semantics<subcore_parallel>], iteration_bounds = array<i64: 1, 16>, scalar_prefetch = 0 : i64, scratch_operands = 16 : i64, tpu.core_type = #tpu.core_type<sc_vector_subcore>, window_params = [{transform_indices = #map}, {transform_indices = #map}, {transform_indices = #map}, {transform_indices = #map}]} {
    %eq3A = arith.constant 0 : i32
    %eq3A_0 = arith.cmpi eq, %arg1, %eq3A : i32
    %mul3A = arith.constant 512 : i32
    %mul3A_1 = arith.muli %arg1, %mul3A : i32
    %dma_start3A = tpu.memref_slice %arg2[%mul3A_1] : memref<8192xf32, #tpu.memory_space<hbm>> -> memref<512xf32, #tpu.memory_space<hbm>>
    %dma_start3A_2 = tpu.memref_slice %arg2[%mul3A_1] : memref<8192xf32, #tpu.memory_space<hbm>> -> memref<512xf32, #tpu.memory_space<hbm>>
    tpu.enqueue_dma source(%dma_start3A_2 : memref<512xf32, #tpu.memory_space<hbm>>) target(%arg21 : memref<512xf32, #tpu.memory_space<vmem>>) target_semaphore(%arg17 : memref<!tpu.dma_semaphore, #tpu.memory_space<semaphore_mem>>)
    %dma_start3A_3 = tpu.memref_slice %arg3[%mul3A_1] : memref<8192xf32, #tpu.memory_space<hbm>> -> memref<512xf32, #tpu.memory_space<hbm>>
    %dma_start3A_4 = tpu.memref_slice %arg3[%mul3A_1] : memref<8192xf32, #tpu.memory_space<hbm>> -> memref<512xf32, #tpu.memory_space<hbm>>
    tpu.enqueue_dma source(%dma_start3A_4 : memref<512xf32, #tpu.memory_space<hbm>>) target(%arg7 : memref<512xf32, #tpu.memory_space<vmem>>) target_semaphore(%arg17 : memref<!tpu.dma_semaphore, #tpu.memory_space<semaphore_mem>>)
    %convert_element_type3A = arith.extui %eq3A_0 : i1 to i32
    %cond3A = arith.constant 0 : i32
    %cond3A_5 = arith.cmpi ne, %convert_element_type3A, %cond3A : i32
    scf.if %cond3A_5 {
      %dma_start3A_24 = arith.constant 0 : i32
      %dma_start3A_25 = tpu.memref_slice %arg14[%dma_start3A_24] : memref<16xi32, #tpu.memory_space<vmem>> -> memref<9xi32, #tpu.memory_space<vmem>>
      %dma_start3A_26 = arith.constant 0 : i32
      %dma_start3A_27 = tpu.memref_slice %arg14[%dma_start3A_26] : memref<16xi32, #tpu.memory_space<vmem>> -> memref<9xi32, #tpu.memory_space<vmem>>
      tpu.enqueue_dma source(%arg4 : memref<9xi32, #tpu.memory_space<hbm>>) target(%dma_start3A_27 : memref<9xi32, #tpu.memory_space<vmem>>) target_semaphore(%arg19 : memref<!tpu.dma_semaphore, #tpu.memory_space<semaphore_mem>>)
    } else {
    }
    %dma_wait3A = tpu.memref_slice %arg2[%mul3A_1] : memref<8192xf32, #tpu.memory_space<hbm>> -> memref<512xf32, #tpu.memory_space<hbm>>
    %dma_wait3A_6 = tpu.memref_slice %arg2[%mul3A_1] : memref<8192xf32, #tpu.memory_space<hbm>> -> memref<512xf32, #tpu.memory_space<hbm>>
    tpu.wait_dma2 semaphore(%arg17 : memref<!tpu.dma_semaphore, #tpu.memory_space<semaphore_mem>>) src(%dma_wait3A_6 : memref<512xf32, #tpu.memory_space<hbm>>) dst(%arg21 : memref<512xf32, #tpu.memory_space<vmem>>)
    %dma_wait3A_7 = tpu.memref_slice %arg3[%mul3A_1] : memref<8192xf32, #tpu.memory_space<hbm>> -> memref<512xf32, #tpu.memory_space<hbm>>
    %dma_wait3A_8 = tpu.memref_slice %arg3[%mul3A_1] : memref<8192xf32, #tpu.memory_space<hbm>> -> memref<512xf32, #tpu.memory_space<hbm>>
    tpu.wait_dma2 semaphore(%arg17 : memref<!tpu.dma_semaphore, #tpu.memory_space<semaphore_mem>>) src(%dma_wait3A_8 : memref<512xf32, #tpu.memory_space<hbm>>) dst(%arg7 : memref<512xf32, #tpu.memory_space<vmem>>)
    %broadcast_in_dim3A = arith.constant 0.000000e+00 : f32
    %broadcast_in_dim3A_9 = vector.broadcast %broadcast_in_dim3A : f32 to vector<16xf32>
    %parallel_loop3A = arith.constant 0 : i32
    %parallel_loop3A_10 = arith.constant 512 : i32
    %parallel_loop3A_11 = arith.constant 16 : i32
    %parallel_loop3A_12 = scf.for %parallel_loop3A_24 = %parallel_loop3A to %parallel_loop3A_10 step %parallel_loop3A_11 iter_args(%parallel_loop3A_25 = %broadcast_in_dim3A_9) -> (vector<16xf32>)  : i32 {
      %parallel_loop3A_26 = arith.index_cast %parallel_loop3A_24 : i32 to index
      %parallel_loop3A_27 = tpu.vector_load %arg21[%parallel_loop3A_26] {strides = array<i32>} : memref<512xf32, #tpu.memory_space<vmem>>, vector<16xf32>,
      %parallel_loop3A_28 = arith.index_cast %parallel_loop3A_24 : i32 to index
      %parallel_loop3A_29 = tpu.vector_load %arg7[%parallel_loop3A_28] {strides = array<i32>} : memref<512xf32, #tpu.memory_space<vmem>>, vector<16xf32>,
      %parallel_loop3A_30 = tpu.bitcast %parallel_loop3A_27 : vector<16xf32> -> vector<16xi32>
      %parallel_loop3A_31 = arith.constant 23 : i32
      %parallel_loop3A_32 = vector.broadcast %parallel_loop3A_31 : i32 to vector<16xi32>
      %parallel_loop3A_33 = arith.shrsi %parallel_loop3A_30, %parallel_loop3A_32 : vector<16xi32>
      %parallel_loop3A_34 = arith.constant 127 : i32
      %parallel_loop3A_35 = vector.broadcast %parallel_loop3A_34 : i32 to vector<16xi32>
      %parallel_loop3A_36 = arith.subi %parallel_loop3A_33, %parallel_loop3A_35 : vector<16xi32>
      %parallel_loop3A_37 = arith.constant 8388607 : i32
      %parallel_loop3A_38 = vector.broadcast %parallel_loop3A_37 : i32 to vector<16xi32>
      %parallel_loop3A_39 = arith.andi %parallel_loop3A_30, %parallel_loop3A_38 : vector<16xi32>
      %parallel_loop3A_40 = arith.constant 1065353216 : i32
      %parallel_loop3A_41 = vector.broadcast %parallel_loop3A_40 : i32 to vector<16xi32>
      %parallel_loop3A_42 = arith.ori %parallel_loop3A_39, %parallel_loop3A_41 : vector<16xi32>
      %parallel_loop3A_43 = tpu.bitcast %parallel_loop3A_42 : vector<16xi32> -> vector<16xf32>
      %parallel_loop3A_44 = arith.constant 1.000000e+00 : f32
      %parallel_loop3A_45 = vector.broadcast %parallel_loop3A_44 : f32 to vector<16xf32>
      %parallel_loop3A_46 = arith.subf %parallel_loop3A_43, %parallel_loop3A_45 : vector<16xf32>
      %parallel_loop3A_47 = arith.constant 1.000000e+00 : f32
      %parallel_loop3A_48 = vector.broadcast %parallel_loop3A_47 : f32 to vector<16xf32>
      %parallel_loop3A_49 = arith.addf %parallel_loop3A_43, %parallel_loop3A_48 : vector<16xf32>
      %parallel_loop3A_50 = arith.divf %parallel_loop3A_46, %parallel_loop3A_49 : vector<16xf32>
      %parallel_loop3A_51 = arith.mulf %parallel_loop3A_50, %parallel_loop3A_50 : vector<16xf32>
      %parallel_loop3A_52 = arith.constant 2.000000e+00 : f32
      %parallel_loop3A_53 = vector.broadcast %parallel_loop3A_52 : f32 to vector<16xf32>
      %parallel_loop3A_54 = arith.mulf %parallel_loop3A_53, %parallel_loop3A_50 : vector<16xf32>
      %parallel_loop3A_55 = arith.constant 0.111111112 : f32
      %parallel_loop3A_56 = vector.broadcast %parallel_loop3A_55 : f32 to vector<16xf32>
      %parallel_loop3A_57 = arith.mulf %parallel_loop3A_51, %parallel_loop3A_56 : vector<16xf32>
      %parallel_loop3A_58 = arith.constant 0.142857149 : f32
      %parallel_loop3A_59 = vector.broadcast %parallel_loop3A_58 : f32 to vector<16xf32>
      %parallel_loop3A_60 = arith.addf %parallel_loop3A_59, %parallel_loop3A_57 : vector<16xf32>
      %parallel_loop3A_61 = arith.mulf %parallel_loop3A_51, %parallel_loop3A_60 : vector<16xf32>
      %parallel_loop3A_62 = arith.constant 2.000000e-01 : f32
      %parallel_loop3A_63 = vector.broadcast %parallel_loop3A_62 : f32 to vector<16xf32>
      %parallel_loop3A_64 = arith.addf %parallel_loop3A_63, %parallel_loop3A_61 : vector<16xf32>
      %parallel_loop3A_65 = arith.mulf %parallel_loop3A_51, %parallel_loop3A_64 : vector<16xf32>
      %parallel_loop3A_66 = arith.constant 0.333333343 : f32
      %parallel_loop3A_67 = vector.broadcast %parallel_loop3A_66 : f32 to vector<16xf32>
      %parallel_loop3A_68 = arith.addf %parallel_loop3A_67, %parallel_loop3A_65 : vector<16xf32>
      %parallel_loop3A_69 = arith.mulf %parallel_loop3A_51, %parallel_loop3A_68 : vector<16xf32>
      %parallel_loop3A_70 = arith.constant 1.000000e+00 : f32
      %parallel_loop3A_71 = vector.broadcast %parallel_loop3A_70 : f32 to vector<16xf32>
      %parallel_loop3A_72 = arith.addf %parallel_loop3A_71, %parallel_loop3A_69 : vector<16xf32>
      %parallel_loop3A_73 = arith.mulf %parallel_loop3A_54, %parallel_loop3A_72 : vector<16xf32>
      %parallel_loop3A_74 = arith.sitofp %parallel_loop3A_36 : vector<16xi32> to vector<16xf32>
      %parallel_loop3A_75 = arith.constant 0.693147182 : f32
      %parallel_loop3A_76 = vector.broadcast %parallel_loop3A_75 : f32 to vector<16xf32>
      %parallel_loop3A_77 = arith.mulf %parallel_loop3A_74, %parallel_loop3A_76 : vector<16xf32>
      %parallel_loop3A_78 = arith.addf %parallel_loop3A_77, %parallel_loop3A_73 : vector<16xf32>
      %parallel_loop3A_79 = arith.constant 0.000000e+00 : f32
      %parallel_loop3A_80 = vector.broadcast %parallel_loop3A_79 : f32 to vector<16xf32>
      %parallel_loop3A_81 = arith.subf %parallel_loop3A_80, %parallel_loop3A_78 : vector<16xf32>
      %parallel_loop3A_82 = arith.constant 9.99999974E-6 : f32
      %parallel_loop3A_83 = vector.broadcast %parallel_loop3A_82 : f32 to vector<16xf32>
      %parallel_loop3A_84 = arith.addf %parallel_loop3A_29, %parallel_loop3A_83 : vector<16xf32>
      %parallel_loop3A_85 = arith.divf %parallel_loop3A_84, %parallel_loop3A_27 : vector<16xf32>
      %parallel_loop3A_86 = arith.subf %parallel_loop3A_81, %parallel_loop3A_85 : vector<16xf32>
      %parallel_loop3A_87 = arith.addf %parallel_loop3A_25, %parallel_loop3A_86 : vector<16xf32>
      scf.yield %parallel_loop3A_87 : vector<16xf32>
    } {sc.loop_unroll_factor = 4 : i64, sc.parallel_access}
    %swap3A = arith.constant 0 : index
    %swap3A_13 = tpu.vector_load %arg6[%swap3A] {strides = array<i32>} : memref<16xf32, #tpu.memory_space<vmem>>, vector<16xf32>,
    tpu.vector_store %arg6[%swap3A], %parallel_loop3A_12 {strides = array<i32>} : memref<16xf32, #tpu.memory_space<vmem>>, vector<16xf32>,
    %convert_element_type3A_14 = arith.extui %eq3A_0 : i1 to i32
    %cond3A_15 = arith.constant 0 : i32
    %cond3A_16 = arith.cmpi ne, %convert_element_type3A_14, %cond3A_15 : i32
    scf.if %cond3A_16 {
      %dma_wait3A_24 = arith.constant 0 : i32
      %dma_wait3A_25 = tpu.memref_slice %arg14[%dma_wait3A_24] : memref<16xi32, #tpu.memory_space<vmem>> -> memref<9xi32, #tpu.memory_space<vmem>>
      %dma_wait3A_26 = arith.constant 0 : i32
      %dma_wait3A_27 = tpu.memref_slice %arg14[%dma_wait3A_26] : memref<16xi32, #tpu.memory_space<vmem>> -> memref<9xi32, #tpu.memory_space<vmem>>
      tpu.wait_dma2 semaphore(%arg19 : memref<!tpu.dma_semaphore, #tpu.memory_space<semaphore_mem>>) src(%arg4 : memref<9xi32, #tpu.memory_space<hbm>>) dst(%dma_wait3A_27 : memref<9xi32, #tpu.memory_space<vmem>>)
      %iota3A = tpu.iota {dimensions = array<i32: 0>} : vector<16xi32>
      %min3A = arith.constant 8 : i32
      %min3A_28 = vector.broadcast %min3A : i32 to vector<16xi32>
      %min3A_29 = arith.minsi %iota3A, %min3A_28 : vector<16xi32>
      %gather3A = tpu.vector_load_idx %arg14[%min3A_29] : memref<16xi32, #tpu.memory_space<vmem>>[vector<16xi32>], vector<16xi32>,
      %add3A = arith.constant 1 : i32
      %add3A_30 = vector.broadcast %add3A : i32 to vector<16xi32>
      %add3A_31 = arith.addi %iota3A, %add3A_30 : vector<16xi32>
      %min3A_32 = arith.constant 8 : i32
      %min3A_33 = vector.broadcast %min3A_32 : i32 to vector<16xi32>
      %min3A_34 = arith.minsi %add3A_31, %min3A_33 : vector<16xi32>
      %gather3A_35 = tpu.vector_load_idx %arg14[%min3A_34] : memref<16xi32, #tpu.memory_space<vmem>>[vector<16xi32>], vector<16xi32>,
      %min3A_36 = arith.constant 8191 : i32
      %min3A_37 = vector.broadcast %min3A_36 : i32 to vector<16xi32>
      %min3A_38 = arith.minsi %gather3A, %min3A_37 : vector<16xi32>
      %swap3A_39 = arith.constant 0 : index
      %swap3A_40 = tpu.vector_load %arg13[%swap3A_39] {strides = array<i32>} : memref<16xi32, #tpu.memory_space<vmem>>, vector<16xi32>,
      tpu.vector_store %arg13[%swap3A_39], %min3A_38 {strides = array<i32>} : memref<16xi32, #tpu.memory_space<vmem>>, vector<16xi32>,
      %sub3A = arith.constant 1 : i32
      %sub3A_41 = vector.broadcast %sub3A : i32 to vector<16xi32>
      %sub3A_42 = arith.subi %gather3A_35, %sub3A_41 : vector<16xi32>
      %max3A = arith.constant 0 : i32
      %max3A_43 = vector.broadcast %max3A : i32 to vector<16xi32>
      %max3A_44 = arith.maxsi %sub3A_42, %max3A_43 : vector<16xi32>
      %swap3A_45 = arith.constant 0 : index
      %swap3A_46 = tpu.vector_load %arg12[%swap3A_45] {strides = array<i32>} : memref<16xi32, #tpu.memory_space<vmem>>, vector<16xi32>,
      tpu.vector_store %arg12[%swap3A_45], %max3A_44 {strides = array<i32>} : memref<16xi32, #tpu.memory_space<vmem>>, vector<16xi32>,
      %dma_start3A_47 = arith.constant 0 : i32
      %dma_start3A_48 = tpu.memref_slice %arg2[%dma_start3A_47] : memref<8192xf32, #tpu.memory_space<hbm>> -> memref<8192xf32, #tpu.memory_space<hbm>>
      tpu.enqueue_indirect_dma source(%dma_start3A_48 : memref<8192xf32, #tpu.memory_space<hbm>>) target(%arg11 : memref<16xf32, #tpu.memory_space<vmem>>) offsets(%arg13 : memref<16xi32, #tpu.memory_space<vmem>>) semaphore(%arg18 : memref<!tpu.dma_semaphore, #tpu.memory_space<semaphore_mem>>)
      %dma_start3A_49 = arith.constant 0 : i32
      %dma_start3A_50 = tpu.memref_slice %arg2[%dma_start3A_49] : memref<8192xf32, #tpu.memory_space<hbm>> -> memref<8192xf32, #tpu.memory_space<hbm>>
      tpu.enqueue_indirect_dma source(%dma_start3A_50 : memref<8192xf32, #tpu.memory_space<hbm>>) target(%arg10 : memref<16xf32, #tpu.memory_space<vmem>>) offsets(%arg12 : memref<16xi32, #tpu.memory_space<vmem>>) semaphore(%arg18 : memref<!tpu.dma_semaphore, #tpu.memory_space<semaphore_mem>>)
      %dma_start3A_51 = arith.constant 0 : i32
      %dma_start3A_52 = tpu.memref_slice %arg3[%dma_start3A_51] : memref<8192xf32, #tpu.memory_space<hbm>> -> memref<8192xf32, #tpu.memory_space<hbm>>
      tpu.enqueue_indirect_dma source(%dma_start3A_52 : memref<8192xf32, #tpu.memory_space<hbm>>) target(%arg9 : memref<16xf32, #tpu.memory_space<vmem>>) offsets(%arg13 : memref<16xi32, #tpu.memory_space<vmem>>) semaphore(%arg18 : memref<!tpu.dma_semaphore, #tpu.memory_space<semaphore_mem>>)
      %dma_start3A_53 = arith.constant 0 : i32
      %dma_start3A_54 = tpu.memref_slice %arg3[%dma_start3A_53] : memref<8192xf32, #tpu.memory_space<hbm>> -> memref<8192xf32, #tpu.memory_space<hbm>>
      tpu.enqueue_indirect_dma source(%dma_start3A_54 : memref<8192xf32, #tpu.memory_space<hbm>>) target(%arg8 : memref<16xf32, #tpu.memory_space<vmem>>) offsets(%arg12 : memref<16xi32, #tpu.memory_space<vmem>>) semaphore(%arg18 : memref<!tpu.dma_semaphore, #tpu.memory_space<semaphore_mem>>)
    } else {
    }
    %not3A = arith.constant true
    %not3A_17 = arith.xori %eq3A_0, %not3A : i1
    %convert_element_type3A_18 = arith.extui %not3A_17 : i1 to i32
    %cond3A_19 = arith.constant 0 : i32
    %cond3A_20 = arith.cmpi ne, %convert_element_type3A_18, %cond3A_19 : i32
    scf.if %cond3A_20 {
      %mul3A_24 = arith.constant 16 : i32
      %mul3A_25 = arith.muli %arg1, %mul3A_24 : i32
      "tpu.region"() ({
        %run_scoped3A = tpu.sem_alloc : memref<!tpu.dma_semaphore, #tpu.memory_space<semaphore_mem>>
        %dma_start3A_26 = tpu.memref_slice %arg20[%mul3A_25] : memref<256xf32, #tpu.memory_space<vmem_shared>> -> memref<16xf32, #tpu.memory_space<vmem_shared>>
        %dma_start3A_27 = tpu.memref_slice %arg20[%mul3A_25] : memref<256xf32, #tpu.memory_space<vmem_shared>> -> memref<16xf32, #tpu.memory_space<vmem_shared>>
        tpu.enqueue_dma source(%arg6 : memref<16xf32, #tpu.memory_space<vmem>>) target(%dma_start3A_27 : memref<16xf32, #tpu.memory_space<vmem_shared>>) target_semaphore(%run_scoped3A : memref<!tpu.dma_semaphore, #tpu.memory_space<semaphore_mem>>)
        %dma_wait3A_28 = tpu.memref_slice %arg20[%mul3A_25] : memref<256xf32, #tpu.memory_space<vmem_shared>> -> memref<16xf32, #tpu.memory_space<vmem_shared>>
        %dma_wait3A_29 = tpu.memref_slice %arg20[%mul3A_25] : memref<256xf32, #tpu.memory_space<vmem_shared>> -> memref<16xf32, #tpu.memory_space<vmem_shared>>
        tpu.wait_dma2 semaphore(%run_scoped3A : memref<!tpu.dma_semaphore, #tpu.memory_space<semaphore_mem>>) src(%arg6 : memref<16xf32, #tpu.memory_space<vmem>>) dst(%dma_wait3A_29 : memref<16xf32, #tpu.memory_space<vmem_shared>>)
        tpu.yield
      }) : () -> ()
    } else {
    }
    %barrier3A = arith.constant 0 : index
    tpu.barrier barrier_id(%barrier3A)
    %convert_element_type3A_21 = arith.extui %eq3A_0 : i1 to i32
    %cond3A_22 = arith.constant 0 : i32
    %cond3A_23 = arith.cmpi ne, %convert_element_type3A_21, %cond3A_22 : i32
    scf.if %cond3A_23 {
      "tpu.region"() ({
        %run_scoped3A = tpu.sem_alloc : memref<!tpu.dma_semaphore, #tpu.memory_space<semaphore_mem>>
        %dma_start3A_221 = arith.constant 16 : i32
        %dma_start3A_222 = tpu.memref_slice %arg16[%dma_start3A_221] : memref<256xf32, #tpu.memory_space<vmem>> -> memref<240xf32, #tpu.memory_space<vmem>>
        %dma_start3A_223 = arith.constant 16 : i32
        %dma_start3A_224 = tpu.memref_slice %arg20[%dma_start3A_223] : memref<256xf32, #tpu.memory_space<vmem_shared>> -> memref<240xf32, #tpu.memory_space<vmem_shared>>
        %dma_start3A_225 = arith.constant 16 : i32
        %dma_start3A_226 = tpu.memref_slice %arg16[%dma_start3A_225] : memref<256xf32, #tpu.memory_space<vmem>> -> memref<240xf32, #tpu.memory_space<vmem>>
        %dma_start3A_227 = arith.constant 16 : i32
        %dma_start3A_228 = tpu.memref_slice %arg20[%dma_start3A_227] : memref<256xf32, #tpu.memory_space<vmem_shared>> -> memref<240xf32, #tpu.memory_space<vmem_shared>>
        tpu.enqueue_dma source(%dma_start3A_228 : memref<240xf32, #tpu.memory_space<vmem_shared>>) target(%dma_start3A_226 : memref<240xf32, #tpu.memory_space<vmem>>) target_semaphore(%run_scoped3A : memref<!tpu.dma_semaphore, #tpu.memory_space<semaphore_mem>>)
        %dma_wait3A_229 = arith.constant 16 : i32
        %dma_wait3A_230 = tpu.memref_slice %arg16[%dma_wait3A_229] : memref<256xf32, #tpu.memory_space<vmem>> -> memref<240xf32, #tpu.memory_space<vmem>>
        %dma_wait3A_231 = arith.constant 16 : i32
        %dma_wait3A_232 = tpu.memref_slice %arg20[%dma_wait3A_231] : memref<256xf32, #tpu.memory_space<vmem_shared>> -> memref<240xf32, #tpu.memory_space<vmem_shared>>
        %dma_wait3A_233 = arith.constant 16 : i32
        %dma_wait3A_234 = tpu.memref_slice %arg16[%dma_wait3A_233] : memref<256xf32, #tpu.memory_space<vmem>> -> memref<240xf32, #tpu.memory_space<vmem>>
        %dma_wait3A_235 = arith.constant 16 : i32
        %dma_wait3A_236 = tpu.memref_slice %arg20[%dma_wait3A_235] : memref<256xf32, #tpu.memory_space<vmem_shared>> -> memref<240xf32, #tpu.memory_space<vmem_shared>>
        tpu.wait_dma2 semaphore(%run_scoped3A : memref<!tpu.dma_semaphore, #tpu.memory_space<semaphore_mem>>) src(%dma_wait3A_236 : memref<240xf32, #tpu.memory_space<vmem_shared>>) dst(%dma_wait3A_234 : memref<240xf32, #tpu.memory_space<vmem>>)
        tpu.yield
      }) : () -> ()
      %get3A = arith.constant 0 : index
      %get3A_24 = tpu.vector_load %arg6[%get3A] {strides = array<i32>} : memref<16xf32, #tpu.memory_space<vmem>>, vector<16xf32>,
      %get3A_25 = arith.constant 16 : index
      %get3A_26 = tpu.vector_load %arg16[%get3A_25] {strides = array<i32>} : memref<256xf32, #tpu.memory_space<vmem>>, vector<16xf32>,
      %add3A = arith.addf %get3A_24, %get3A_26 : vector<16xf32>
      %get3A_27 = arith.constant 32 : index
      %get3A_28 = tpu.vector_load %arg16[%get3A_27] {strides = array<i32>} : memref<256xf32, #tpu.memory_space<vmem>>, vector<16xf32>,
      %add3A_29 = arith.addf %add3A, %get3A_28 : vector<16xf32>
      %get3A_30 = arith.constant 48 : index
      %get3A_31 = tpu.vector_load %arg16[%get3A_30] {strides = array<i32>} : memref<256xf32, #tpu.memory_space<vmem>>, vector<16xf32>,
      %add3A_32 = arith.addf %add3A_29, %get3A_31 : vector<16xf32>
      %get3A_33 = arith.constant 64 : index
      %get3A_34 = tpu.vector_load %arg16[%get3A_33] {strides = array<i32>} : memref<256xf32, #tpu.memory_space<vmem>>, vector<16xf32>,
      %add3A_35 = arith.addf %add3A_32, %get3A_34 : vector<16xf32>
      %get3A_36 = arith.constant 80 : index
      %get3A_37 = tpu.vector_load %arg16[%get3A_36] {strides = array<i32>} : memref<256xf32, #tpu.memory_space<vmem>>, vector<16xf32>,
      %add3A_38 = arith.addf %add3A_35, %get3A_37 : vector<16xf32>
      %get3A_39 = arith.constant 96 : index
      %get3A_40 = tpu.vector_load %arg16[%get3A_39] {strides = array<i32>} : memref<256xf32, #tpu.memory_space<vmem>>, vector<16xf32>,
      %add3A_41 = arith.addf %add3A_38, %get3A_40 : vector<16xf32>
      %get3A_42 = arith.constant 112 : index
      %get3A_43 = tpu.vector_load %arg16[%get3A_42] {strides = array<i32>} : memref<256xf32, #tpu.memory_space<vmem>>, vector<16xf32>,
      %add3A_44 = arith.addf %add3A_41, %get3A_43 : vector<16xf32>
      %get3A_45 = arith.constant 128 : index
      %get3A_46 = tpu.vector_load %arg16[%get3A_45] {strides = array<i32>} : memref<256xf32, #tpu.memory_space<vmem>>, vector<16xf32>,
      %add3A_47 = arith.addf %add3A_44, %get3A_46 : vector<16xf32>
      %get3A_48 = arith.constant 144 : index
      %get3A_49 = tpu.vector_load %arg16[%get3A_48] {strides = array<i32>} : memref<256xf32, #tpu.memory_space<vmem>>, vector<16xf32>,
      %add3A_50 = arith.addf %add3A_47, %get3A_49 : vector<16xf32>
      %get3A_51 = arith.constant 160 : index
      %get3A_52 = tpu.vector_load %arg16[%get3A_51] {strides = array<i32>} : memref<256xf32, #tpu.memory_space<vmem>>, vector<16xf32>,
      %add3A_53 = arith.addf %add3A_50, %get3A_52 : vector<16xf32>
      %get3A_54 = arith.constant 176 : index
      %get3A_55 = tpu.vector_load %arg16[%get3A_54] {strides = array<i32>} : memref<256xf32, #tpu.memory_space<vmem>>, vector<16xf32>,
      %add3A_56 = arith.addf %add3A_53, %get3A_55 : vector<16xf32>
      %get3A_57 = arith.constant 192 : index
      %get3A_58 = tpu.vector_load %arg16[%get3A_57] {strides = array<i32>} : memref<256xf32, #tpu.memory_space<vmem>>, vector<16xf32>,
      %add3A_59 = arith.addf %add3A_56, %get3A_58 : vector<16xf32>
      %get3A_60 = arith.constant 208 : index
      %get3A_61 = tpu.vector_load %arg16[%get3A_60] {strides = array<i32>} : memref<256xf32, #tpu.memory_space<vmem>>, vector<16xf32>,
      %add3A_62 = arith.addf %add3A_59, %get3A_61 : vector<16xf32>
      %get3A_63 = arith.constant 224 : index
      %get3A_64 = tpu.vector_load %arg16[%get3A_63] {strides = array<i32>} : memref<256xf32, #tpu.memory_space<vmem>>, vector<16xf32>,
      %add3A_65 = arith.addf %add3A_62, %get3A_64 : vector<16xf32>
      %get3A_66 = arith.constant 240 : index
      %get3A_67 = tpu.vector_load %arg16[%get3A_66] {strides = array<i32>} : memref<256xf32, #tpu.memory_space<vmem>>, vector<16xf32>,
      %add3A_68 = arith.addf %add3A_65, %get3A_67 : vector<16xf32>
      %dma_wait3A_69 = arith.constant 0 : i32
      %dma_wait3A_70 = tpu.memref_slice %arg2[%dma_wait3A_69] : memref<8192xf32, #tpu.memory_space<hbm>> -> memref<8192xf32, #tpu.memory_space<hbm>>
      tpu.wait_indirect_dma semaphore(%arg18 : memref<!tpu.dma_semaphore, #tpu.memory_space<semaphore_mem>>) src(%dma_wait3A_70 : memref<8192xf32, #tpu.memory_space<hbm>>) dst(%arg11 : memref<16xf32, #tpu.memory_space<vmem>>)
      %dma_wait3A_71 = arith.constant 0 : i32
      %dma_wait3A_72 = tpu.memref_slice %arg2[%dma_wait3A_71] : memref<8192xf32, #tpu.memory_space<hbm>> -> memref<8192xf32, #tpu.memory_space<hbm>>
      tpu.wait_indirect_dma semaphore(%arg18 : memref<!tpu.dma_semaphore, #tpu.memory_space<semaphore_mem>>) src(%dma_wait3A_72 : memref<8192xf32, #tpu.memory_space<hbm>>) dst(%arg10 : memref<16xf32, #tpu.memory_space<vmem>>)
      %dma_wait3A_73 = arith.constant 0 : i32
      %dma_wait3A_74 = tpu.memref_slice %arg3[%dma_wait3A_73] : memref<8192xf32, #tpu.memory_space<hbm>> -> memref<8192xf32, #tpu.memory_space<hbm>>
      tpu.wait_indirect_dma semaphore(%arg18 : memref<!tpu.dma_semaphore, #tpu.memory_space<semaphore_mem>>) src(%dma_wait3A_74 : memref<8192xf32, #tpu.memory_space<hbm>>) dst(%arg9 : memref<16xf32, #tpu.memory_space<vmem>>)
      %dma_wait3A_75 = arith.constant 0 : i32
      %dma_wait3A_76 = tpu.memref_slice %arg3[%dma_wait3A_75] : memref<8192xf32, #tpu.memory_space<hbm>> -> memref<8192xf32, #tpu.memory_space<hbm>>
      tpu.wait_indirect_dma semaphore(%arg18 : memref<!tpu.dma_semaphore, #tpu.memory_space<semaphore_mem>>) src(%dma_wait3A_76 : memref<8192xf32, #tpu.memory_space<hbm>>) dst(%arg8 : memref<16xf32, #tpu.memory_space<vmem>>)
      %iota3A = tpu.iota {dimensions = array<i32: 0>} : vector<16xi32>
      %min3A = arith.constant 8 : i32
      %min3A_77 = vector.broadcast %min3A : i32 to vector<16xi32>
      %min3A_78 = arith.minsi %iota3A, %min3A_77 : vector<16xi32>
      %gather3A = tpu.vector_load_idx %arg14[%min3A_78] : memref<16xi32, #tpu.memory_space<vmem>>[vector<16xi32>], vector<16xi32>,
      %add3A_79 = arith.constant 1 : i32
      %add3A_80 = vector.broadcast %add3A_79 : i32 to vector<16xi32>
      %add3A_81 = arith.addi %iota3A, %add3A_80 : vector<16xi32>
      %min3A_82 = arith.constant 8 : i32
      %min3A_83 = vector.broadcast %min3A_82 : i32 to vector<16xi32>
      %min3A_84 = arith.minsi %add3A_81, %min3A_83 : vector<16xi32>
      %gather3A_85 = tpu.vector_load_idx %arg14[%min3A_84] : memref<16xi32, #tpu.memory_space<vmem>>[vector<16xi32>], vector<16xi32>,
      %broadcast_in_dim3A_86 = arith.constant 0.000000e+00 : f32
      %broadcast_in_dim3A_87 = vector.broadcast %broadcast_in_dim3A_86 : f32 to vector<16xf32>
      %gt3A = arith.cmpi sgt, %gather3A_85, %gather3A : vector<16xi32>
      %sub3A = arith.subi %gather3A_85, %gather3A : vector<16xi32>
      %ge3A = arith.constant 2 : i32
      %ge3A_88 = vector.broadcast %ge3A : i32 to vector<16xi32>
      %ge3A_89 = arith.cmpi sge, %sub3A, %ge3A_88 : vector<16xi32>
      %get3A_90 = arith.constant 0 : index
      %get3A_91 = tpu.vector_load %arg11[%get3A_90] {strides = array<i32>} : memref<16xf32, #tpu.memory_space<vmem>>, vector<16xf32>,
      %get3A_92 = arith.constant 0 : index
      %get3A_93 = tpu.vector_load %arg9[%get3A_92] {strides = array<i32>} : memref<16xf32, #tpu.memory_space<vmem>>, vector<16xf32>,
      %bitcast_convert_type3A = tpu.bitcast %get3A_91 : vector<16xf32> -> vector<16xi32>
      %shift_right_arithmetic3A = arith.constant 23 : i32
      %shift_right_arithmetic3A_94 = vector.broadcast %shift_right_arithmetic3A : i32 to vector<16xi32>
      %shift_right_arithmetic3A_95 = arith.shrsi %bitcast_convert_type3A, %shift_right_arithmetic3A_94 : vector<16xi32>
      %sub3A_96 = arith.constant 127 : i32
      %sub3A_97 = vector.broadcast %sub3A_96 : i32 to vector<16xi32>
      %sub3A_98 = arith.subi %shift_right_arithmetic3A_95, %sub3A_97 : vector<16xi32>
      %and3A = arith.constant 8388607 : i32
      %and3A_99 = vector.broadcast %and3A : i32 to vector<16xi32>
      %and3A_100 = arith.andi %bitcast_convert_type3A, %and3A_99 : vector<16xi32>
      %or3A = arith.constant 1065353216 : i32
      %or3A_101 = vector.broadcast %or3A : i32 to vector<16xi32>
      %or3A_102 = arith.ori %and3A_100, %or3A_101 : vector<16xi32>
      %bitcast_convert_type3A_103 = tpu.bitcast %or3A_102 : vector<16xi32> -> vector<16xf32>
      %sub3A_104 = arith.constant 1.000000e+00 : f32
      %sub3A_105 = vector.broadcast %sub3A_104 : f32 to vector<16xf32>
      %sub3A_106 = arith.subf %bitcast_convert_type3A_103, %sub3A_105 : vector<16xf32>
      %add3A_107 = arith.constant 1.000000e+00 : f32
      %add3A_108 = vector.broadcast %add3A_107 : f32 to vector<16xf32>
      %add3A_109 = arith.addf %bitcast_convert_type3A_103, %add3A_108 : vector<16xf32>
      %div3A = arith.divf %sub3A_106, %add3A_109 : vector<16xf32>
      %mul3A_110 = arith.mulf %div3A, %div3A : vector<16xf32>
      %mul3A_111 = arith.constant 2.000000e+00 : f32
      %mul3A_112 = vector.broadcast %mul3A_111 : f32 to vector<16xf32>
      %mul3A_113 = arith.mulf %mul3A_112, %div3A : vector<16xf32>
      %mul3A_114 = arith.constant 0.111111112 : f32
      %mul3A_115 = vector.broadcast %mul3A_114 : f32 to vector<16xf32>
      %mul3A_116 = arith.mulf %mul3A_110, %mul3A_115 : vector<16xf32>
      %add3A_117 = arith.constant 0.142857149 : f32
      %add3A_118 = vector.broadcast %add3A_117 : f32 to vector<16xf32>
      %add3A_119 = arith.addf %add3A_118, %mul3A_116 : vector<16xf32>
      %mul3A_120 = arith.mulf %mul3A_110, %add3A_119 : vector<16xf32>
      %add3A_121 = arith.constant 2.000000e-01 : f32
      %add3A_122 = vector.broadcast %add3A_121 : f32 to vector<16xf32>
      %add3A_123 = arith.addf %add3A_122, %mul3A_120 : vector<16xf32>
      %mul3A_124 = arith.mulf %mul3A_110, %add3A_123 : vector<16xf32>
      %add3A_125 = arith.constant 0.333333343 : f32
      %add3A_126 = vector.broadcast %add3A_125 : f32 to vector<16xf32>
      %add3A_127 = arith.addf %add3A_126, %mul3A_124 : vector<16xf32>
      %mul3A_128 = arith.mulf %mul3A_110, %add3A_127 : vector<16xf32>
      %add3A_129 = arith.constant 1.000000e+00 : f32
      %add3A_130 = vector.broadcast %add3A_129 : f32 to vector<16xf32>
      %add3A_131 = arith.addf %add3A_130, %mul3A_128 : vector<16xf32>
      %mul3A_132 = arith.mulf %mul3A_113, %add3A_131 : vector<16xf32>
      %convert_element_type3A_133 = arith.sitofp %sub3A_98 : vector<16xi32> to vector<16xf32>
      %mul3A_134 = arith.constant 0.693147182 : f32
      %mul3A_135 = vector.broadcast %mul3A_134 : f32 to vector<16xf32>
      %mul3A_136 = arith.mulf %convert_element_type3A_133, %mul3A_135 : vector<16xf32>
      %add3A_137 = arith.addf %mul3A_136, %mul3A_132 : vector<16xf32>
      %neg3A = arith.constant 0.000000e+00 : f32
      %neg3A_138 = vector.broadcast %neg3A : f32 to vector<16xf32>
      %neg3A_139 = arith.subf %neg3A_138, %add3A_137 : vector<16xf32>
      %add3A_140 = arith.constant 9.99999974E-6 : f32
      %add3A_141 = vector.broadcast %add3A_140 : f32 to vector<16xf32>
      %add3A_142 = arith.addf %get3A_93, %add3A_141 : vector<16xf32>
      %div3A_143 = arith.divf %add3A_142, %get3A_91 : vector<16xf32>
      %sub3A_144 = arith.subf %neg3A_139, %div3A_143 : vector<16xf32>
      %select_n3A = arith.select %gt3A, %sub3A_144, %broadcast_in_dim3A_87 : vector<16xi1>, vector<16xf32>
      %get3A_145 = arith.constant 0 : index
      %get3A_146 = tpu.vector_load %arg10[%get3A_145] {strides = array<i32>} : memref<16xf32, #tpu.memory_space<vmem>>, vector<16xf32>,
      %get3A_147 = arith.constant 0 : index
      %get3A_148 = tpu.vector_load %arg8[%get3A_147] {strides = array<i32>} : memref<16xf32, #tpu.memory_space<vmem>>, vector<16xf32>,
      %bitcast_convert_type3A_149 = tpu.bitcast %get3A_146 : vector<16xf32> -> vector<16xi32>
      %shift_right_arithmetic3A_150 = arith.constant 23 : i32
      %shift_right_arithmetic3A_151 = vector.broadcast %shift_right_arithmetic3A_150 : i32 to vector<16xi32>
      %shift_right_arithmetic3A_152 = arith.shrsi %bitcast_convert_type3A_149, %shift_right_arithmetic3A_151 : vector<16xi32>
      %sub3A_153 = arith.constant 127 : i32
      %sub3A_154 = vector.broadcast %sub3A_153 : i32 to vector<16xi32>
      %sub3A_155 = arith.subi %shift_right_arithmetic3A_152, %sub3A_154 : vector<16xi32>
      %and3A_156 = arith.constant 8388607 : i32
      %and3A_157 = vector.broadcast %and3A_156 : i32 to vector<16xi32>
      %and3A_158 = arith.andi %bitcast_convert_type3A_149, %and3A_157 : vector<16xi32>
      %or3A_159 = arith.constant 1065353216 : i32
      %or3A_160 = vector.broadcast %or3A_159 : i32 to vector<16xi32>
      %or3A_161 = arith.ori %and3A_158, %or3A_160 : vector<16xi32>
      %bitcast_convert_type3A_162 = tpu.bitcast %or3A_161 : vector<16xi32> -> vector<16xf32>
      %sub3A_163 = arith.constant 1.000000e+00 : f32
      %sub3A_164 = vector.broadcast %sub3A_163 : f32 to vector<16xf32>
      %sub3A_165 = arith.subf %bitcast_convert_type3A_162, %sub3A_164 : vector<16xf32>
      %add3A_166 = arith.constant 1.000000e+00 : f32
      %add3A_167 = vector.broadcast %add3A_166 : f32 to vector<16xf32>
      %add3A_168 = arith.addf %bitcast_convert_type3A_162, %add3A_167 : vector<16xf32>
      %div3A_169 = arith.divf %sub3A_165, %add3A_168 : vector<16xf32>
      %mul3A_170 = arith.mulf %div3A_169, %div3A_169 : vector<16xf32>
      %mul3A_171 = arith.constant 2.000000e+00 : f32
      %mul3A_172 = vector.broadcast %mul3A_171 : f32 to vector<16xf32>
      %mul3A_173 = arith.mulf %mul3A_172, %div3A_169 : vector<16xf32>
      %mul3A_174 = arith.constant 0.111111112 : f32
      %mul3A_175 = vector.broadcast %mul3A_174 : f32 to vector<16xf32>
      %mul3A_176 = arith.mulf %mul3A_170, %mul3A_175 : vector<16xf32>
      %add3A_177 = arith.constant 0.142857149 : f32
      %add3A_178 = vector.broadcast %add3A_177 : f32 to vector<16xf32>
      %add3A_179 = arith.addf %add3A_178, %mul3A_176 : vector<16xf32>
      %mul3A_180 = arith.mulf %mul3A_170, %add3A_179 : vector<16xf32>
      %add3A_181 = arith.constant 2.000000e-01 : f32
      %add3A_182 = vector.broadcast %add3A_181 : f32 to vector<16xf32>
      %add3A_183 = arith.addf %add3A_182, %mul3A_180 : vector<16xf32>
      %mul3A_184 = arith.mulf %mul3A_170, %add3A_183 : vector<16xf32>
      %add3A_185 = arith.constant 0.333333343 : f32
      %add3A_186 = vector.broadcast %add3A_185 : f32 to vector<16xf32>
      %add3A_187 = arith.addf %add3A_186, %mul3A_184 : vector<16xf32>
      %mul3A_188 = arith.mulf %mul3A_170, %add3A_187 : vector<16xf32>
      %add3A_189 = arith.constant 1.000000e+00 : f32
      %add3A_190 = vector.broadcast %add3A_189 : f32 to vector<16xf32>
      %add3A_191 = arith.addf %add3A_190, %mul3A_188 : vector<16xf32>
      %mul3A_192 = arith.mulf %mul3A_173, %add3A_191 : vector<16xf32>
      %convert_element_type3A_193 = arith.sitofp %sub3A_155 : vector<16xi32> to vector<16xf32>
      %mul3A_194 = arith.constant 0.693147182 : f32
      %mul3A_195 = vector.broadcast %mul3A_194 : f32 to vector<16xf32>
      %mul3A_196 = arith.mulf %convert_element_type3A_193, %mul3A_195 : vector<16xf32>
      %add3A_197 = arith.addf %mul3A_196, %mul3A_192 : vector<16xf32>
      %neg3A_198 = arith.constant 0.000000e+00 : f32
      %neg3A_199 = vector.broadcast %neg3A_198 : f32 to vector<16xf32>
      %neg3A_200 = arith.subf %neg3A_199, %add3A_197 : vector<16xf32>
      %add3A_201 = arith.constant 9.99999974E-6 : f32
      %add3A_202 = vector.broadcast %add3A_201 : f32 to vector<16xf32>
      %add3A_203 = arith.addf %get3A_148, %add3A_202 : vector<16xf32>
      %div3A_204 = arith.divf %add3A_203, %get3A_146 : vector<16xf32>
      %sub3A_205 = arith.subf %neg3A_200, %div3A_204 : vector<16xf32>
      %select_n3A_206 = arith.select %ge3A_89, %sub3A_205, %broadcast_in_dim3A_87 : vector<16xi1>, vector<16xf32>
      %add3A_207 = arith.addf %select_n3A, %select_n3A_206 : vector<16xf32>
      %sub3A_208 = arith.subf %add3A_207, %add3A_68 : vector<16xf32>
      %reduce_sum3A = arith.constant true
      %reduce_sum3A_209 = vector.broadcast %reduce_sum3A : i1 to vector<16xi1>
      %reduce_sum3A_210 = tpu.scan <sum>, %sub3A_208 masked %reduce_sum3A_209 : vector<16xf32>, vector<16xi1> -> vector<16xf32>
      %reduce_sum3A_211 = vector.extract %reduce_sum3A_210[15] : f32 from vector<16xf32>
      %mul3A_212 = arith.constant 0.111111112 : f32
      %mul3A_213 = arith.mulf %reduce_sum3A_211, %mul3A_212 : f32
      %iota3A_214 = tpu.iota {dimensions = array<i32: 0>} : vector<16xi32>
      %eq3A_215 = arith.constant 0 : i32
      %eq3A_216 = vector.broadcast %eq3A_215 : i32 to vector<16xi32>
      %eq3A_217 = arith.cmpi eq, %iota3A_214, %eq3A_216 : vector<16xi32>
      %broadcast_in_dim3A_218 = arith.constant 0 : i32
      %broadcast_in_dim3A_219 = vector.broadcast %broadcast_in_dim3A_218 : i32 to vector<16xi32>
      %broadcast_in_dim3A_220 = vector.broadcast %mul3A_213 : f32 to vector<16xf32>
      tpu.vector_store_idx %arg15[%broadcast_in_dim3A_219], %broadcast_in_dim3A_220 masked %eq3A_217 : memref<1xf32, #tpu.memory_space<vmem>>[vector<16xi32>], vector<16xf32>, vector<16xi1>
      "tpu.region"() ({
        %run_scoped3A = tpu.sem_alloc : memref<!tpu.dma_semaphore, #tpu.memory_space<semaphore_mem>>
        tpu.enqueue_dma source(%arg15 : memref<1xf32, #tpu.memory_space<vmem>>) target(%arg5 : memref<1xf32, #tpu.memory_space<hbm>>) target_semaphore(%run_scoped3A : memref<!tpu.dma_semaphore, #tpu.memory_space<semaphore_mem>>)
        tpu.wait_dma2 semaphore(%run_scoped3A : memref<!tpu.dma_semaphore, #tpu.memory_space<semaphore_mem>>) src(%arg15 : memref<1xf32, #tpu.memory_space<vmem>>) dst(%arg5 : memref<1xf32, #tpu.memory_space<hbm>>)
        tpu.yield
      }) : () -> ()
    } else {
    }
    return
  }
}

</mosaic_0001>

<sc_bundles>
// kernel: kernel.3.cloned.1.call-start
scs
__scs_entry_jumppad:
0x0: {  	(pc) =	sbr.rel $0x88, $3  }
0x1: {  	(tag) =	ssettag $0x0;
	lr =	simm.s32 $0x1  }
0x2: {  	[smem:$0x3F9E] =	sst lr;
	_ =	strace $0xD0000000  }
0x3: {  	_ = 	snop  }
0x4: {  	_ = 	snop  }
0x5: {  	_ = 	snop  }
0x6: {  	_ = 	snop  }
0x7: {  	_ = 	snop  }
__scs_overlays_trampoline_lowered:
0x8: {  	[smem:$0x3FAD] =	sst s0  }
0x9: {  	[smem:$0x3FAE] =	sst s1  }
0xa: {  	[smem:$0x3FAF] =	sst s2  }
0xb: {  	[smem:$0x3FB0] =	sst s3  }
0xc: {  	[smem:$0x3FB1] =	sst s4  }
0xd: {  	[smem:$0x3FB2] =	sst s5  }
0xe: {  	[smem:$0x3FB3] =	sst s6  }
0xf: {  	[smem:$0x3FB4] =	sst s7  }
0x10: {  	[smem:$0x3FB5] =	sst s8  }
0x11: {  	[smem:$0x3FB6] =	sst s9;
	s0 =	simm.s32 @!p0 $0x0  }
0x12: {  	s1 =	sld [smem:$0x3F9C];
	s0 =	simm.s32 @p0 $0x1  }
0x13: {  	[smem:$0x3FB7] =	sst s0;
	s0 =	simm.s32 @!p1 $0x0  }
0x14: {  	s2 =	sld [smem:$0x3F9B];
	s0 =	simm.s32 @p1 $0x1  }
0x15: {  	[smem:$0x3FB8] =	sst s0;
	s0 =	simm.s32 @!p2 $0x0  }
0x16: {  	s3 =	sld [smem:$0x3FDB];
	s0 =	simm.s32 @p2 $0x1  }
0x17: {  	s4 =	simm.s32 $0x1BF5;
	[smem:$0x3FBA] =	sst s0  }
0x18: {  	s0 =	sld [smem:$0x3F9D];
	_ =	swait.ge [sflag:s4], $0x0  }
0x19: {  	s7 =	sld [smem:$0x3F9E]  }
0x1a: {  	s8 =	sadd.s32 $0xFFFFE003, lr  }
0x1b: {  	s9 =	sadd.s32 $0xFFFFFEF7, lr;
	s5 =	simm.s32 $0xFFFFFFFF;
	p2 =	slt.u32 s8, $0xFFFFF086  }
0x1c: {  	p1 =	slt.u32 s9, $0xF7A;
	s5 =	simm.s32 @!p2 $0x0  }
0x1d: {  	s5 =	simm.s32 @p1 $0x1;
	p0 =	seq.s32 s7, s2  }
0x1e: {  	s7 =	smul.u32 @!p0 $0xF7A, s2;
	p2 =	seq.s32 @!p0 s5, $0x0  }
0x1f: {  	s9 =	smul.u32 $0xF7A, s1;
	s8 =	simm.s32 @!p0 $0x1BF5;
	p2 =	por !p2, p0  }
0x20: {  	[sflag:s8] =	ssyncset.s32 @!p0 $0xFFFFF086;
	s6 =	sadd.s32 @!p0 s3, s7;
	s7 =	simm.s32 @!p0 $0x108  }
0x21: {  	s3 =	sadd.s32 s3, s9;
	s6 =	sadd.s32 @!p0 $0x88, s6;
	s7 =	simm.s32 @p2 $0x1082  }
0x22: {  	[simem:s7], [sflag:s8] =	dma.local @!p0 [hbm:s6], $0xF7A  }
0x23: {  	s9 =	sor.u32 $0xD0000000, s2;
	s6 =	simm.s32 $0x108;
	_ =	swait.ge @!p0 [sflag:s8], $0x0  }
0x24: {  	s3 =	sadd.s32 $0x88, s3;
	s6 =	simm.s32 @!p1 $0x1082;
	[sflag:s4] =	ssyncset.s32 $0xFFFFF086  }
0x25: {  	[simem:s6], [sflag:s4] =	dma.local [hbm:s3], $0xF7A  }
0x26: {  	[smem:$0x3F9E] =	sst s1;
	(tag) =	ssettag s2;
	_ =	strace s9  }
0x27: {  	s1 =	sld [smem:$0x3FAE]  }
0x28: {  	s2 =	sld [smem:$0x3FAF]  }
0x29: {  	s4 =	sld [smem:$0x3FB1]  }
0x2a: {  	p0 =	seq.s32 s5, $0x0;
	s5 =	sld [smem:$0x3FB2]  }
0x2b: {  	s6 =	sld [smem:$0x3FB3]  }
0x2c: {  	s7 =	sld [smem:$0x3FB4]  }
0x2d: {  	s3 =	simm.s32 $0x108;
	s8 =	sld [smem:$0x3FB5]  }
0x2e: {  	s3 =	simm.s32 @!p0 $0x1082;
	s9 =	sld [smem:$0x3FB6]  }
0x2f: {  	lr =	sadd.s32 s0, s3;
	s0 =	sld [smem:$0x3FAD]  }
0x30: {  	s3 =	sld [smem:$0x3FB0]  }
0x31: {  	[smem:$0x3FB9] =	sst s10  }
0x32: {  	s10 =	sld [smem:$0x3FB7];
	_ =	sdelay $0x3  }
0x33: {  	p0 =	seq.s32 s10, $0x1;
	s10 =	sld [smem:$0x3FB9];
	_ =	sdelay $0x3  }
0x34: {  	[smem:$0x3FB9] =	sst s10  }
0x35: {  	s10 =	sld [smem:$0x3FB8];
	_ =	sdelay $0x3  }
0x36: {  	p1 =	seq.s32 s10, $0x1;
	s10 =	sld [smem:$0x3FB9];
	_ =	sdelay $0x3  }
0x37: {  	[smem:$0x3FB9] =	sst s10  }
0x38: {  	s10 =	sld [smem:$0x3FBA]  }
0x39: {  	_ = 	snop;
	(pc) =	sbr.ind lr, $3  }
0x3a: {  	_ = 	snop  }
0x3b: {  	_ = 	snop  }
0x3c: {  	p2 =	seq.s32 s10, $0x1;
	s10 =	sld [smem:$0x3FB9]  }
0x3d: {  	_ =	shalt  }
0x3e: {  	_ =	shalt  }
0x3f: {  	_ =	shalt  }
0x40: {  	_ =	shalt  }
0x41: {  	_ =	shalt  }
0x42: {  	_ =	shalt  }
0x43: {  	_ =	shalt  }
0x44: {  	_ =	shalt  }
0x45: {  	_ =	shalt  }
0x46: {  	_ =	shalt  }
0x47: {  	_ =	shalt  }
0x48: {  	_ =	shalt  }
0x49: {  	_ =	shalt  }
0x4a: {  	_ =	shalt  }
0x4b: {  	_ =	shalt  }
0x4c: {  	_ =	shalt  }
0x4d: {  	_ =	shalt  }
0x4e: {  	_ =	shalt  }
0x4f: {  	_ =	shalt  }
0x50: {  	_ =	shalt  }
0x51: {  	_ =	shalt  }
0x52: {  	_ =	shalt  }
0x53: {  	_ =	shalt  }
0x54: {  	_ =	shalt  }
0x55: {  	_ =	shalt  }
0x56: {  	_ =	shalt  }
0x57: {  	_ =	shalt  }
0x58: {  	_ =	shalt  }
0x59: {  	_ =	shalt  }
0x5a: {  	_ =	shalt  }
0x5b: {  	_ =	shalt  }
0x5c: {  	_ =	shalt  }
0x5d: {  	_ =	shalt  }
0x5e: {  	_ =	shalt  }
0x5f: {  	_ =	shalt  }
0x60: {  	_ =	shalt  }
0x61: {  	_ =	shalt  }
0x62: {  	_ =	shalt  }
0x63: {  	_ =	shalt  }
0x64: {  	_ =	shalt  }
0x65: {  	_ =	shalt  }
0x66: {  	_ =	shalt  }
0x67: {  	_ =	shalt  }
0x68: {  	_ =	shalt  }
0x69: {  	_ =	shalt  }
0x6a: {  	_ =	shalt  }
0x6b: {  	_ =	shalt  }
0x6c: {  	_ =	shalt  }
0x6d: {  	_ =	shalt  }
0x6e: {  	_ =	shalt  }
0x6f: {  	_ =	shalt  }
0x70: {  	_ =	shalt  }
0x71: {  	_ =	shalt  }
0x72: {  	_ =	shalt  }
0x73: {  	_ =	shalt  }
0x74: {  	_ =	shalt  }
0x75: {  	_ =	shalt  }
0x76: {  	_ =	shalt  }
0x77: {  	_ =	shalt  }
0x78: {  	_ =	shalt  }
0x79: {  	_ =	shalt  }
0x7a: {  	_ =	shalt  }
0x7b: {  	_ =	shalt  }
0x7c: {  	_ =	shalt  }
0x7d: {  	_ =	shalt  }
0x7e: {  	_ =	shalt  }
0x7f: {  	_ =	shalt  }
0x80: {  	_ =	shalt  }
0x81: {  	_ =	shalt  }
0x82: {  	_ =	shalt  }
0x83: {  	_ =	shalt  }
0x84: {  	_ =	shalt  }
0x85: {  	_ =	shalt  }
0x86: {  	_ =	shalt  }
0x87: {  	_ =	shalt  }
.Lfunc_end0:
.L_simem_size_0:
called_computation_lowered:
.L_overlay_start_0:
0x88: {  	s0 =	sld [smem:$0x3FD9]  }
0x89: {  	s1 =	sld [smem:$0x3FFE];
	_ =	sdelay $0x3  }
0x8a: {  	s0 =	sadd.s32 s1, s0  }
0x8b: {  	[smem:$0x3FC5] =	sst s0  }
0x8c: {  	_ = 	snop  }
0x8d: {  	s0 =	sld [smem:$0x3FD0]  }
0x8e: {  	s14 =	sld [smem:$0x3FC9]  }
0x8f: {  	s2 =	sld [smem:$0x3FC8]  }
0x90: {  	s4 =	simm.s32 $0xA;
	s5 =	simm.s32 $0x10;
	s3 =	sld [smem:$0x3FC7]  }
0x91: {  	[smem:s5], [sflag:s4] =	dma.local [hbm:s0], $0x1  }
0x92: {  	_ =	swait.eq [sflag:s4], $0x1  }
0x93: {  	[sflag:s4] =	ssyncset.done $0x0  }
0x94: {  	[sflag:s4] =	ssyncadd.s32 $0xFFFFFFFF  }
0x95: {  	s15 =	sld [smem:$0x10];
	(tm) =	ssettm $0x1  }
0x96: {  	s16 =	sld [smem:$0x3FFB];
	_ =	sdelay $0x3  }
0x97: {  	_ =	strace s16  }
0x98: {  	s4 =	sld [smem:$0x3FFC];
	_ =	sdelay $0x3  }
0x99: {  	_ =	strace s4  }
0x9a: {  	s4 =	sld [smem:$0x3FFD];
	_ =	sdelay $0x3  }
0x9b: {  	_ =	strace s4  }
0x9c: {  	_ =	strace $0x8FFFFFFF  }
0x9d: {  	s17 =	sld [smem:$0x3FDB];
	_ =	sdelay $0x1  }
0x9e: {  	s18 =	simm.s32 $_scs_section_size  }
0x9f: {  	s6 =	simm.s32 $_size__tile_overlayer_lowered;
	s7 =	simm.s32 $_tile_overlayer_lowered  }
0xa0: {  	s21 =	simm.s32 $0x1BFF;
	s20 =	sshll.u32 s7, $0x1;
	s4 =	sadd.s32 s18, s17  }
0xa1: {  	s8 =	simm.s32 $0x0;
	s19 =	sshll.u32 s6, $0x1;
	s6 =	sadd.s32 s20, s4  }
0xa2: {  	[timem:s8], [sflag:s21] =	dma.local [hbm:s6], s19  }
0xa3: {  	_ =	swait.ge [sflag:s21], s19  }
0xa4: {  	s5 =	ssub.s32 $0x0, s19;
	[sflag:s21] =	ssyncset.done $0x0  }
0xa5: {  	[sflag:s21] =	ssyncadd.s32 s5;
	_ =	sdelay $0x1  }
0xa6: {  	s22 =	simm.s32 $0x1B8B  }
0xa7: {  	_ =	swait.ge [sflag:s22], $0x1  }
0xa8: {  	[sflag:s22] =	ssyncset.done $0x0  }
0xa9: {  	s23 =	simm.s32 $0x1B8E;
	[sflag:s22] =	ssyncadd.s32 $0xFFFFFFFF  }
0xaa: {  	s24 =	simm.s32 $execute0_lowered;
	[smem:$0x3FD2] =	sst s23  }
0xab: {  	s5 =	sshll.u32 s24, $0x1;
	_ =	strace $0x80000046;
	[dreg:$0x1] =	wrdreg $0xFFFFFFFF  }
0xac: {  	s25 =	simm.s32 $_size_execute0_lowered;
	s4 =	sadd.s32 s4, s5;
	[dreg:$0x0] =	wrdreg $0x0  }
0xad: {  	s5 =	sshll.u32 s25, $0x1;
	[dreg:$0x2] =	wrdreg s4  }
0xae: {  	[dreg:$0x3] =	wrdreg s5  }
0xaf: {  	[dreg:$0x4] =	wrdreg $0xC0  }
0xb0: {  	_ =	task [dreg:s8], $0x5FFFF  }
0xb1: {  	[dreg:$0x1] =	wrdreg $0xFFFFFFFF  }
0xb2: {  	[dreg:$0x0] =	wrdreg $0x60  }
0xb3: {  	[dreg:$0x2] =	wrdreg s14  }
0xb4: {  	[dreg:$0x3] =	wrdreg s2  }
0xb5: {  	[dreg:$0x4] =	wrdreg s3  }
0xb6: {  	[dreg:$0x5] =	wrdreg s15  }
0xb7: {  	[dreg:$0x6] =	wrdreg $0x7800  }
0xb8: {  	[dreg:$0x7] =	wrdreg $0x9  }
0xb9: {  	_ =	task.clear_ibuf [dreg:s8], $0x8FFFF;
	_ =	strace $0x90000046  }
0xba: {  	s26 =	simm.s32 $0x9;
	_ =	strace $0x80000048  }
0xbb: {  	_ =	swait.ge [sflag:s26], $0x1  }
0xbc: {  	[sflag:s26] =	ssyncadd.s32 $0xFFFFFFFF  }
0xbd: {  	_ =	strace $0x90000048  }
0xbe: {  	_ =	sfence  }
0xbf: {  	s28 =	sld [smem:$0x0];
	_ =	sdelay $0x1  }
0xc0: {  	s29 =	srdreg.scid  }
0xc1: {  	s30 =	sshll.u32 s29, $0xD;
	s31 =	sshrl.u32 s29, $0x2  }
0xc2: {  	s1 =	sand.u32 $0x1, s29;
	s2 =	sand.u32 $0x4000, s30;
	s0 =	sadd.s32 s31, s28  }
0xc3: {  	s1 =	sor.u32 s2, s1;
	s0 =	sshll.u32 s0, $0x11  }
0xc4: {  	s0 =	sor.u32 s0, s1  }
0xc5: {  	s0 =	sadd.s32 $0x8F2B, s0  }
0xc6: {  	[sflag:s0] =	ssyncadd.remote.s32 $0x1  }
0xc7: {  	_ =	sfence.sel $0xFFFF  }
0xc8: {  	[dreg:$0x0] =	wrdreg $0xFFFFFFFF;
	(pc) =	sbr.abs _section_cstart, $3  }
0xc9: {  	[dreg:$0x1] =	wrdreg $0xFFFFFFFF  }
0xca: {  	_ =	task.clear_ibuf [dreg:s8], $0x2FFFF;
	_ =	strace $0x9FFFFFFF  }
0xcb: {  	(tm) =	ssettm $0x7FFFFFFF  }
tec
execute0_lowered:
.L_overlay_start_1:
0x0: {  	(tag) =	ssettag $0x1  }
0x1: {  	s3 =	rddreg [dreg:$0x0]  }
0x2: {  	s2 =	rddreg [dreg:$0x1]  }
0x3: {  	s7 =	rddreg [dreg:$0x2]  }
0x4: {  	s1 =	rddreg [dreg:$0x3]  }
0x5: {  	s5 =	rddreg [dreg:$0x4]  }
0x6: {  	s0 =	rddreg [dreg:$0x5];
	s8 =	simm.s32 $0x0;
	s4 =	stileid.u32  }
0x7: {  	[smem:$0x7FF] =	sst s8;
	s6 =	sshll.u32 s4, $0x6  }
0x8: {  	s10 =	simm.s32 $0x790;
	_ =	strace $0x80000047;
	s9 =	sadd.s32 s3, s6  }
0x9: {  	[tilespmem:s10], [sflag:$0x1] =	stream.linear.gather [hbm4b:s9+s8], $0x200, $0x38;
	[tilespmem:$0x990] =	vst v63  }
0xa: {  	s26 =	simm.s32 $0x80;
	p0 =	sne.s32 s4, $0x0;
	s25 =	sadd.s32 s2, s6  }
0xb: {  	[tilespmem:s26], [sflag:$0x1] =	stream.linear.gather [hbm4b:s25+s8], $0x200, $0x38;
	[tilespmem:$0x990] =	vst v63  }
0xc: {  	s28 =	simm.s32 $0x1;
	s9 =	simm.s32 @!p0 $0x580;
	s8 =	simm.s32 @!p0 $0x0  }
0xd: {  	[tilespmem:s9], [sflag:$0x3] =	stream.linear.gather @!p0 [hbm4b:s7+s8], $0x9, $0x38;
	[tilespmem:$0x990] =	vst v63  }
0xe: {  	_ =	swait.ge [sflag:s28], $0x200  }
0xf: {  	[sflag:s28] =	ssyncset.done $0x0  }
0x10: {  	[sflag:s28] =	ssyncadd.s32 $0xFFFFFE00  }
0x11: {  	_ =	swait.ge [sflag:s28], $0x200  }
0x12: {  	[sflag:s28] =	ssyncset.done $0x0  }
0x13: {  	s29 =	simm.s32 $0x7B0;
	[sflag:s28] =	ssyncadd.s32 $0xFFFFFE00  }
0x14: {  	v4 =	vld [tilespmem:s29+$0xFFFFFFE0];
	_ =	sdelay $0x2  }
0x15: {  	v5 =	vld [tilespmem:s29+$0xFFFFFFF0]  }
0x16: {  	v6 =	vld [tilespmem:s29+$0x0]  }
0x17: {  	v3 =	vld [tilespmem:s29+$0x10];
	v0 =	vand.u32 $0x7FFFFF, v4  }
0x18: {  	v7 =	vor.u32 $0x3F800000, v0  }
0x19: {  	v1 =	vadd.f32 $1.000000000e+00, v7  }
0x1a: {  	v0 =	vand.u32 $0x7FFFFF, v5  }
0x1b: {  	v2 =	vand.u32 $0x7FFFFF, v6;
	v8 =	vor.u32 $0x3F800000, v0;
	(erf) = vrcp.f32 v1  }
0x1c: {  	s30 =	simm.s32 $0xA0;
	v9 =	vor.u32 $0x3F800000, v2;
	v2 =	vadd.f32 $1.000000000e+00, v8;
	v1 =	vand.u32 $0x7FFFFF, v3  }
0x1d: {  	v10 =	vld [tilespmem:s30+$0x0];
	v12 =	vadd.f32 $1.000000000e+00, v9;
	v13 =	vor.u32 $0x3F800000, v1  }
0x1e: {  	v11 =	vld [tilespmem:s30+$0xFFFFFFF0];
	(erf) = vrcp.f32 v2;
	v2 =	vadd.f32 $1.000000000e+00, v13  }
0x1f: {  	v0 =	vld [tilespmem:s30+$0x10];
	(erf) = vrcp.f32 v12  }
0x20: {  	v14 =	vld [tilespmem:s30+$0xFFFFFFE0];
	(erf) = vrcp.f32 v2  }
0x21: {  	(erf) = vrcp.f32 v3  }
0x22: {  	v10 =	vadd.f32 $9.999999740e-06, v10;
	(erf) = vrcp.f32 v6  }
0x23: {  	s31 =	simm.s32 $0x7F0;
	v18 =	vshra.s32 v4, $0x17;
	v7 =	vadd.f32 $-1.000000000e+00, v7;
	(erf) = vrcp.f32 v5  }
0x24: {  	v16 =	vadd.f32 $9.999999740e-06, v0;
	v0 =	vld [tilespmem:s31+$0xFFFFFFF0];
	v17 =	vpop (erf);
	(erf) = vrcp.f32 v4;
	v4 =	vadd.f32 $-1.000000000e+00, v8  }
0x25: {  	v11 =	vadd.f32 $9.999999740e-06, v11;
	v14 =	vadd.f32 $9.999999740e-06, v14  }
0x26: {  	v15 =	vshra.s32 v3, $0x17;
	v9 =	vadd.f32 $-1.000000000e+00, v9;
	v7 =	vmul.f32 v17, v7  }
0x27: {  	v1 =	vld [tilespmem:s31+$0x10];
	v12 =	vimm.f32 $0.0e+00;
	v6 =	vshra.s32 v6, $0x17;
	v5 =	vshra.s32 v5, $0x17;
	v17 =	vpop (erf)  }
0x28: {  	v25 =	vadd.s32 $0xFFFFFF81, v6;
	v17 =	vmul.f32 v17, v4;
	v21 =	vmul.f32 v7, v7;
	v4 =	vpop (erf)  }
0x29: {  	v19 =	vand.u32 $0x7FFFFF, v0;
	v9 =	vmul.f32 v4, v9;
	v4 =	vadd.f32 $-1.000000000e+00, v13  }
0x2a: {  	v23 =	vmul.f32 v17, v17;
	v13 =	vadd.s32 $0xFFFFFF81, v15;
	v15 =	vmul.f32 $1.111111120e-01, v21;
	v24 =	vpop (erf)  }
0x2b: {  	v3 =	vld [tilespmem:s31+$0xFFFFFFE0];
	v27 =	vadd.s32 $0xFFFFFF81, v5;
	v26 =	vmul.f32 v9, v9;
	v24 =	vmul.f32 v24, v4  }
0x2c: {  	v8 =	vand.u32 $0x7FFFFF, v1;
	v6 =	vmul.f32 $1.111111120e-01, v23;
	v5 =	vadd.f32 $1.428571490e-01, v15  }
0x2d: {  	v15 =	vadd.s32 $0xFFFFFF81, v18;
	v18 =	vmul.f32 $1.111111120e-01, v26;
	v28 =	vmul.f32 v24, v24  }
0x2e: {  	v2 =	vld [tilespmem:s31+$0x0];
	v4 =	vor.u32 $0x3F800000, v8;
	v29 =	vadd.f32 $1.428571490e-01, v6;
	v8 =	vmul.f32 v5, v21  }
0x2f: {  	v5 =	vor.u32 $0x3F800000, v19;
	v18 =	vadd.f32 $1.428571490e-01, v18;
	v19 =	vmul.f32 $1.111111120e-01, v28  }
0x30: {  	v25 =	vcvt.s32.f32 v25;
	v57 =	vmul.f32 v29, v23;
	v8 =	vadd.f32 $2.000000030e-01, v8  }
0x31: {  	v22 =	vand.u32 $0x7FFFFF, v3;
	v18 =	vmul.f32 v18, v26;
	v19 =	vadd.f32 $1.428571490e-01, v19  }
0x32: {  	v6 =	vor.u32 $0x3F800000, v22;
	v22 =	vadd.f32 $2.000000030e-01, v57;
	v8 =	vmul.f32 v8, v21  }
0x33: {  	v20 =	vand.u32 $0x7FFFFF, v2;
	v18 =	vadd.f32 $2.000000030e-01, v18;
	v19 =	vmul.f32 v19, v28  }
0x34: {  	v27 =	vcvt.s32.f32 v27;
	v22 =	vmul.f32 v22, v23;
	v8 =	vadd.f32 $3.333333430e-01, v8  }
0x35: {  	v60 =	vmul.f32 $6.931471820e-01, v25;
	v18 =	vmul.f32 v18, v26;
	v19 =	vadd.f32 $2.000000030e-01, v19  }
0x36: {  	v7 =	vadd.f32 v7, v7;
	v59 =	vadd.f32 $3.333333430e-01, v22;
	v8 =	vmul.f32 v8, v21  }
0x37: {  	v13 =	vcvt.s32.f32 v13;
	v18 =	vadd.f32 $3.333333430e-01, v18;
	v19 =	vmul.f32 v19, v28  }
0x38: {  	v9 =	vadd.f32 v9, v9;
	v21 =	vmul.f32 v59, v23;
	v8 =	vadd.f32 $1.000000000e+00, v8  }
0x39: {  	v15 =	vcvt.s32.f32 v15;
	v18 =	vmul.f32 v18, v26;
	v19 =	vadd.f32 $3.333333430e-01, v19  }
0x3a: {  	v7 =	vmul.f32 v8, v7;
	v8 =	vadd.f32 v17, v17;
	v17 =	vadd.f32 $1.000000000e+00, v21  }
0x3b: {  	v61 =	vpop (erf);
	v13 =	vmul.f32 $6.931471820e-01, v13;
	v30 =	vadd.f32 $1.000000000e+00, v6;
	v15 =	vmul.f32 $6.931471820e-01, v15  }
0x3c: {  	v62 =	vpop (erf);
	v58 =	vadd.f32 $1.000000000e+00, v5;
	v18 =	vadd.f32 $1.000000000e+00, v18;
	v19 =	vmul.f32 v19, v28  }
0x3d: {  	v63 =	vpop (erf);
	v7 =	vadd.f32 v7, v15;
	v8 =	vmul.f32 v17, v8;
	v15 =	vmul.f32 $6.931471820e-01, v27  }
0x3e: {  	v17 =	vpop (erf);
	v9 =	vmul.f32 v18, v9;
	v18 =	vadd.f32 v24, v24;
	v19 =	vadd.f32 $1.000000000e+00, v19  }
0x3f: {  	v7 =	vsub.f32 $0.0e+00, v7;
	v8 =	vadd.f32 v8, v15;
	v14 =	vmul.f32 v14, v17  }
0x40: {  	(erf) = vrcp.f32 v30;
	v9 =	vadd.f32 v9, v60;
	v15 =	vmul.f32 v19, v18  }
0x41: {  	s7 =	simm.s32 $0xE0;
	v17 =	vmul.f32 v11, v63;
	v8 =	vsub.f32 $0.0e+00, v8;
	v14 =	vsub.f32 v7, v14  }
0x42: {  	v11 =	vld [tilespmem:s7+$0x10];
	v7 =	vor.u32 $0x3F800000, v20;
	v18 =	vsub.f32 $0.0e+00, v9;
	v9 =	vadd.f32 v15, v13  }
0x43: {  	v8 =	vsub.f32 v8, v17;
	v15 =	vmul.f32 v10, v62;
	v13 =	vld [tilespmem:s7+$0x0];
	v12 =	vadd.f32 v14, v12  }
0x44: {  	s6 =	sshrl.u32 s6, $0x2;
	(erf) = vrcp.f32 v58;
	v17 =	vadd.f32 $1.000000000e+00, v7;
	v10 =	vld [tilespmem:s7+$0xFFFFFFF0];
	v9 =	vsub.f32 $0.0e+00, v9  }
0x45: {  	s6 =	sadd.s32 s6, s5;
	v15 =	vsub.f32 v18, v15;
	v14 =	vadd.f32 v8, v12;
	v12 =	vld [tilespmem:s7+$0xFFFFFFE0];
	v8 =	vmul.f32 v16, v61  }
0x46: {  	s5 =	sadd.s32 $0x10, s5;
	s8 =	simm.s32 $0x40;
	s9 =	simm.s32 $0x830;
	(erf) = vrcp.f32 v17;
	v16 =	vadd.f32 $1.000000000e+00, v4  }
.LBB2_1:
0x47: {  	v17 =	vld [tilespmem:s9+$0x10];
	v14 =	vadd.f32 v15, v14;
	v15 =	vsub.f32 v9, v8  }
0x48: {  	v8 =	vadd.f32 $9.999999740e-06, v11;
	v18 =	vld [tilespmem:s9+$0x0];
	v9 =	vadd.f32 $9.999999740e-06, v13;
	(erf) = vrcp.f32 v16  }
0x49: {  	v13 =	vld [tilespmem:s9+$0xFFFFFFF0];
	v11 =	vadd.f32 $9.999999740e-06, v10;
	(erf) = vrcp.f32 v1;
	v10 =	vadd.f32 v15, v14  }
0x4a: {  	v15 =	vshra.s32 v1, $0x17;
	v14 =	vld [tilespmem:s9+$0xFFFFFFE0];
	v12 =	vadd.f32 $9.999999740e-06, v12;
	(erf) = vrcp.f32 v2  }
0x4b: {  	v6 =	vadd.f32 $-1.000000000e+00, v6;
	v16 =	vshra.s32 v2, $0x17;
	v2 =	vpop (erf);
	(erf) = vrcp.f32 v0  }
0x4c: {  	v19 =	vshra.s32 v3, $0x17;
	v20 =	vshra.s32 v0, $0x17;
	(erf) = vrcp.f32 v3;
	v1 =	vmovc v17  }
0x4d: {  	v24 =	vadd.f32 $-1.000000000e+00, v5;
	v21 =	vmul.f32 v2, v6;
	v17 =	vand.u32 $0x7FFFFF, v1;
	v5 =	vpop (erf)  }
0x4e: {  	v25 =	vadd.f32 $-1.000000000e+00, v7;
	v22 =	vand.u32 $0x7FFFFF, v18;
	v2 =	vmovc v18;
	v6 =	vand.u32 $0x7FFFFF, v13;
	v0 =	vmovc v13  }
0x4f: {  	v18 =	vmul.f32 v21, v21;
	v23 =	vmul.f32 v5, v24;
	v13 =	vand.u32 $0x7FFFFF, v14;
	v3 =	vpop (erf)  }
0x50: {  	v4 =	vadd.f32 $-1.000000000e+00, v4;
	v15 =	vadd.s32 $0xFFFFFF81, v15;
	v24 =	vmul.f32 v3, v25;
	v3 =	vmovc v14  }
0x51: {  	v16 =	vadd.s32 $0xFFFFFF81, v16;
	v5 =	vmul.f32 $1.111111120e-01, v18;
	v14 =	vmul.f32 v23, v23;
	v7 =	vpop (erf)  }
0x52: {  	v20 =	vadd.s32 $0xFFFFFF81, v20;
	v25 =	vmul.f32 v24, v24;
	v26 =	vmul.f32 v7, v4;
	v27 =	vpop (erf)  }
0x53: {  	v19 =	vadd.s32 $0xFFFFFF81, v19;
	v5 =	vadd.f32 $1.428571490e-01, v5;
	v28 =	vmul.f32 $1.111111120e-01, v14;
	v29 =	vpop (erf)  }
0x54: {  	v4 =	vor.u32 $0x3F800000, v17;
	v17 =	vmul.f32 $1.111111120e-01, v25;
	v30 =	vmul.f32 v26, v26;
	v31 =	vpop (erf)  }
0x55: {  	v7 =	vor.u32 $0x3F800000, v22;
	v22 =	vmul.f32 v5, v18;
	v28 =	vadd.f32 $1.428571490e-01, v28;
	v32 =	vpop (erf)  }
0x56: {  	v5 =	vor.u32 $0x3F800000, v6;
	v17 =	vadd.f32 $1.428571490e-01, v17;
	v33 =	vmul.f32 $1.111111120e-01, v30  }
0x57: {  	v6 =	vor.u32 $0x3F800000, v13;
	v13 =	vadd.f32 $2.000000030e-01, v22;
	v22 =	vmul.f32 v28, v14  }
0x58: {  	v15 =	vcvt.s32.f32 v15;
	v17 =	vmul.f32 v17, v25;
	v28 =	vadd.f32 $1.428571490e-01, v33  }
0x59: {  	v16 =	vcvt.s32.f32 v16;
	v13 =	vmul.f32 v13, v18;
	v22 =	vadd.f32 $2.000000030e-01, v22  }
0x5a: {  	v20 =	vcvt.s32.f32 v20;
	v17 =	vadd.f32 $2.000000030e-01, v17;
	v28 =	vmul.f32 v28, v30  }
0x5b: {  	v19 =	vcvt.s32.f32 v19;
	v13 =	vadd.f32 $3.333333430e-01, v13;
	v22 =	vmul.f32 v22, v14  }
0x5c: {  	v33 =	vadd.f32 $1.000000000e+00, v5;
	v17 =	vmul.f32 v17, v25;
	v28 =	vadd.f32 $2.000000030e-01, v28  }
0x5d: {  	v34 =	vadd.f32 $1.000000000e+00, v6;
	v13 =	vmul.f32 v13, v18;
	v18 =	vadd.f32 $3.333333430e-01, v22  }
0x5e: {  	v16 =	vmul.f32 $6.931471820e-01, v16;
	v17 =	vadd.f32 $3.333333430e-01, v17;
	v22 =	vmul.f32 v28, v30  }
0x5f: {  	v21 =	vadd.f32 v21, v21;
	v13 =	vadd.f32 $1.000000000e+00, v13;
	v14 =	vmul.f32 v18, v14  }
0x60: {  	s8 =	sadd.s32 $0x40, s8;
	v18 =	vmul.f32 $6.931471820e-01, v19;
	v17 =	vmul.f32 v17, v25;
	v19 =	vadd.f32 $3.333333430e-01, v22  }
0x61: {  	p1 =	slt.u32 s8, $0x1C0;
	v13 =	vmul.f32 v13, v21;
	v21 =	vadd.f32 v23, v23;
	v14 =	vadd.f32 $1.000000000e+00, v14  }
0x62: {  	v22 =	vadd.f32 v24, v24;
	v17 =	vadd.f32 $1.000000000e+00, v17;
	v19 =	vmul.f32 v19, v30  }
0x63: {  	v13 =	vadd.f32 v13, v18;
	v14 =	vmul.f32 v14, v21;
	v18 =	vmul.f32 $6.931471820e-01, v20  }
0x64: {  	v20 =	vadd.f32 v26, v26;
	v17 =	vmul.f32 v17, v22;
	v19 =	vadd.f32 $1.000000000e+00, v19  }
0x65: {  	v12 =	vmul.f32 v12, v32;
	v13 =	vsub.f32 $0.0e+00, v13;
	v14 =	vadd.f32 v14, v18  }
0x66: {  	v15 =	vmul.f32 $6.931471820e-01, v15;
	v16 =	vadd.f32 v17, v16;
	v17 =	vmul.f32 v19, v20  }
0x67: {  	s7 =	sadd.s32 $0x40, s7;
	v18 =	vmul.f32 v11, v31;
	v12 =	vsub.f32 v13, v12;
	v14 =	vsub.f32 $0.0e+00, v14  }
.Ltmp0:
0x68: {  	v11 =	vld [tilespmem:s7+$0x10];
	(erf) = vrcp.f32 v34;
	v16 =	vsub.f32 $0.0e+00, v16;
	v15 =	vadd.f32 v17, v15;
	(pc) =	sbr.rel @p1 .LBB2_1-.Ltmp0, $4  }
0x69: {  	v17 =	vadd.f32 v12, v10;
	v14 =	vsub.f32 v14, v18;
	v18 =	vmul.f32 v9, v29;
	v13 =	vld [tilespmem:s7+$0x0]  }
0x6a: {  	v19 =	vadd.f32 $1.000000000e+00, v7;
	v10 =	vld [tilespmem:s7+$0xFFFFFFF0];
	(erf) = vrcp.f32 v33;
	v9 =	vsub.f32 $0.0e+00, v15  }
0x6b: {  	v8 =	vmul.f32 v8, v27;
	v14 =	vadd.f32 v14, v17;
	v15 =	vsub.f32 v16, v18;
	v12 =	vld [tilespmem:s7+$0xFFFFFFE0]  }
0x6c: {  	s9 =	sadd.s32 $0x40, s9;
	v16 =	vadd.f32 $1.000000000e+00, v4;
	(erf) = vrcp.f32 v19  }
0x6d: {  	_ = 	snop  }
0x6e: {  	(erf) = vrcp.f32 v16;
	_ =	sdelay $0x1  }
0x6f: {  	v14 =	vadd.f32 v15, v14;
	v8 =	vsub.f32 v9, v8  }
0x70: {  	v6 =	vadd.f32 $-1.000000000e+00, v6;
	v11 =	vadd.f32 $9.999999740e-06, v11  }
0x71: {  	v5 =	vadd.f32 $-1.000000000e+00, v5;
	v7 =	vadd.f32 $-1.000000000e+00, v7;
	v37 =	vpop (erf)  }
0x72: {  	v4 =	vadd.f32 $-1.000000000e+00, v4;
	v41 =	vshra.s32 v1, $0x17;
	v6 =	vmul.f32 v37, v6  }
0x73: {  	v44 =	vshra.s32 v2, $0x17;
	v45 =	vshra.s32 v3, $0x17;
	v46 =	vshra.s32 v0, $0x17;
	v38 =	vpop (erf)  }
0x74: {  	v36 =	vadd.f32 $9.999999740e-06, v13;
	v39 =	vmul.f32 v6, v6;
	v5 =	vmul.f32 v38, v5;
	v40 =	vpop (erf)  }
0x75: {  	v10 =	vadd.f32 $9.999999740e-06, v10;
	(erf) = vrcp.f32 v1;
	v7 =	vmul.f32 v40, v7  }
0x76: {  	v8 =	vadd.f32 v8, v14;
	v42 =	vmul.f32 $1.111111120e-01, v39;
	v43 =	vmul.f32 v5, v5;
	v16 =	vpop (erf)  }
0x77: {  	v12 =	vadd.f32 $9.999999740e-06, v12;
	v17 =	vmul.f32 v7, v7;
	v4 =	vmul.f32 v16, v4  }
0x78: {  	(erf) = vrcp.f32 v2;
	v13 =	vadd.f32 $1.428571490e-01, v42;
	v18 =	vmul.f32 $1.111111120e-01, v43  }
0x79: {  	v1 =	vadd.s32 $0xFFFFFF81, v41;
	v19 =	vmul.f32 $1.111111120e-01, v17;
	v20 =	vmul.f32 v4, v4  }
0x7a: {  	v2 =	vadd.s32 $0xFFFFFF81, v44;
	v47 =	vmul.f32 v13, v39;
	v48 =	vadd.f32 $1.428571490e-01, v18  }
0x7b: {  	(erf) = vrcp.f32 v0;
	v49 =	vadd.f32 $1.428571490e-01, v19;
	v50 =	vmul.f32 $1.111111120e-01, v20  }
0x7c: {  	(erf) = vrcp.f32 v3;
	v3 =	vadd.f32 $2.000000030e-01, v47;
	v13 =	vmul.f32 v48, v43  }
0x7d: {  	v1 =	vcvt.s32.f32 v1;
	v18 =	vmul.f32 v49, v17;
	v19 =	vadd.f32 $1.428571490e-01, v50  }
0x7e: {  	v0 =	vadd.s32 $0xFFFFFF81, v46;
	v3 =	vmul.f32 v3, v39;
	v13 =	vadd.f32 $2.000000030e-01, v13  }
0x7f: {  	v2 =	vcvt.s32.f32 v2;
	v18 =	vadd.f32 $2.000000030e-01, v18;
	v19 =	vmul.f32 v19, v20  }
0x80: {  	v0 =	vcvt.s32.f32 v0;
	v3 =	vadd.f32 $3.333333430e-01, v3;
	v13 =	vmul.f32 v13, v43  }
0x81: {  	v6 =	vadd.f32 v6, v6;
	v18 =	vmul.f32 v18, v17;
	v19 =	vadd.f32 $2.000000030e-01, v19  }
0x82: {  	v2 =	vmul.f32 $6.931471820e-01, v2;
	v3 =	vmul.f32 v3, v39;
	v13 =	vadd.f32 $3.333333430e-01, v13  }
0x83: {  	v16 =	vadd.s32 $0xFFFFFF81, v45;
	v51 =	vadd.f32 $3.333333430e-01, v18;
	v52 =	vmul.f32 v19, v20  }
0x84: {  	v16 =	vcvt.s32.f32 v16;
	v3 =	vadd.f32 $1.000000000e+00, v3;
	v13 =	vmul.f32 v13, v43  }
0x85: {  	v5 =	vadd.f32 v5, v5;
	v14 =	vmul.f32 v51, v17;
	v54 =	vadd.f32 $3.333333430e-01, v52  }
0x86: {  	v55 =	vpop (erf);
	v53 =	vmul.f32 $6.931471820e-01, v16;
	v3 =	vmul.f32 v3, v6;
	v56 =	vadd.f32 $1.000000000e+00, v13  }
0x87: {  	v7 =	vadd.f32 v7, v7;
	v57 =	vpop (erf);
	v14 =	vadd.f32 $1.000000000e+00, v14;
	v16 =	vmul.f32 v54, v20  }
0x88: {  	v0 =	vmul.f32 $6.931471820e-01, v0;
	v58 =	vpop (erf);
	v3 =	vadd.f32 v3, v53;
	v5 =	vmul.f32 v56, v5  }
0x89: {  	v4 =	vadd.f32 v4, v4;
	v59 =	vpop (erf);
	v7 =	vmul.f32 v14, v7;
	v60 =	vadd.f32 $1.000000000e+00, v16  }
0x8a: {  	v6 =	vmul.f32 v12, v59;
	v3 =	vsub.f32 $0.0e+00, v3;
	v0 =	vadd.f32 v5, v0  }
0x8b: {  	v1 =	vmul.f32 $6.931471820e-01, v1;
	v2 =	vadd.f32 v7, v2;
	v4 =	vmul.f32 v60, v4  }
0x8c: {  	v61 =	vmul.f32 v10, v58;
	v3 =	vsub.f32 v3, v6;
	v0 =	vsub.f32 $0.0e+00, v0  }
0x8d: {  	v2 =	vsub.f32 $0.0e+00, v2;
	v1 =	vadd.f32 v4, v1  }
0x8e: {  	v62 =	vmul.f32 v36, v57;
	v3 =	vadd.f32 v3, v8;
	v0 =	vsub.f32 v0, v61  }
0x8f: {  	v1 =	vsub.f32 $0.0e+00, v1  }
0x90: {  	v63 =	vmul.f32 v11, v55;
	v0 =	vadd.f32 v0, v3;
	v2 =	vsub.f32 v2, v62  }
0x91: {  	p1 =	seq.s32 s4, $0x0  }
.Ltmp1:
0x92: {  	v0 =	vadd.f32 v2, v0;
	v1 =	vsub.f32 v1, v63;
	(pc) =	sbr.rel @p1 .LBB2_4-.Ltmp1, $3  }
0x93: {  	_ = 	snop  }
0x94: {  	v0 =	vadd.f32 v1, v0;
	_ =	sdelay $0x1  }
0x95: {  	[tilespmem:$0x0] =	vst v0  }
0x96: {  	s1 =	simm.s32 $0x0;
	s31 =	simm.s32 $0x4  }
0x97: {  	[spmem:s6] =	stream.linear.scatter [tilespmem:s1], [sflag:$0x4], $0x10, $0x38;
	[tilespmem:$0x990] =	vst v63  }
.Ltmp2:
0x98: {  	_ =	swait.ge [sflag:s31], $0x10;
	(pc) =	sbr.rel .LBB2_5-.Ltmp2, $3  }
0x99: {  	[sflag:s31] =	ssyncset.done $0x0  }
0x9a: {  	[sflag:s31] =	ssyncadd.s32 $0xFFFFFFF0  }
0x9b: {  	[bflag:$0x0] =	sbarrier.arrive $0xFFFF;
	_ =	sdelay $0x1  }
.LBB2_4:
0x9c: {  	v0 =	vimm.s32 $0x76543210  }
0x9d: {  	v1 =	vimm.s32 $0x87654321;
	v0 =	vunpack.c.l.s4.s8 v0  }
0x9e: {  	v1 =	vunpack.c.l.s4.s8 v1  }
0x9f: {  	v0 =	vunpack.c.0.s8.s32 v0  }
0xa0: {  	v1 =	vunpack.c.0.s8.s32 v1  }
0xa1: {  	vm0 =	vcmask $0x1F00;
	v0 =	vand.u32 $0xF, v0  }
0xa2: {  	v1 =	vand.u32 $0xF, v1;
	v0 =	vnsel vm0, $0x8, v0  }
0xa3: {  	s4 =	simm.s32 $0x3;
	v1 =	vnsel vm0, $0x8, v1  }
0xa4: {  	_ =	swait.ge [sflag:s4], $0x9  }
0xa5: {  	[sflag:s4] =	ssyncset.done $0x0  }
0xa6: {  	s21 =	simm.s32 $0x580;
	[sflag:s4] =	ssyncadd.s32 $0xFFFFFFF7  }
0xa7: {  	v2 =	vld.idx.msk [tilespmem:v0+s21+$0x0], $0xffff  }
0xa8: {  	v3 =	vld.idx.msk [tilespmem:v1+s21+$0x0], $0xffff;
	_ =	sdelay $0x4  }
0xa9: {  	vm13 =	vlt.s32 v2, $0x1FFF;
	v3 =	vadd.s32 $0xFFFFFFFF, v3  }
0xaa: {  	v2 =	vnsel vm13, $0x1FFF, v2;
	vm14 =	vgt.s32 v3, $0x0  }
0xab: {  	[tilespmem:$0x500] =	vst v2;
	v38 =	vnsel vm14, $0x0, v3  }
0xac: {  	s6 =	simm.s32 $0x10;
	s7 =	simm.s32 $0x500;
	s8 =	simm.s32 $0x400;
	[tilespmem:$0x480] =	vst v38  }
0xad: {  	[tilespmem:s8], [sflag:$0x2] =	stream.indirect.gather [hbm4b:s3+s6], $0x1, s7, s6, $0xb8;
	[tilespmem:$0x990] =	vst v63  }
0xae: {  	s22 =	simm.s32 $0x480;
	s9 =	simm.s32 $0x380  }
0xaf: {  	[tilespmem:s9], [sflag:$0x2] =	stream.indirect.gather [hbm4b:s3+s6], $0x1, s22, s6, $0xb8;
	[tilespmem:$0x990] =	vst v63  }
0xb0: {  	s23 =	simm.s32 $0x300  }
0xb1: {  	[tilespmem:s23], [sflag:$0x2] =	stream.indirect.gather [hbm4b:s2+s6], $0x1, s7, s6, $0xb8;
	[tilespmem:$0x990] =	vst v63  }
0xb2: {  	s24 =	simm.s32 $0x280  }
0xb3: {  	[tilespmem:s24], [sflag:$0x2] =	stream.indirect.gather [hbm4b:s2+s6], $0x1, s22, s6, $0xb8;
	[tilespmem:$0x990] =	vst v63  }
0xb4: {  	s25 =	simm.s32 $0x690;
	s26 =	simm.s32 $0x4;
	[bflag:$0x0] =	sbarrier.arrive $0xFFFF  }
0xb5: {  	[tilespmem:s25], [sflag:$0x4] =	stream.linear.gather [spmem:s5], $0xF0, $0x38;
	[tilespmem:$0x990] =	vst v63  }
0xb6: {  	_ =	swait.ge [sflag:s26], $0xF0  }
0xb7: {  	[sflag:s26] =	ssyncset.done $0x0  }
0xb8: {  	[sflag:s26] =	ssyncadd.s32 $0xFFFFFF10  }
0xb9: {  	v39 =	vld [tilespmem:$0x0]  }
0xba: {  	v40 =	vld [tilespmem:$0x690]  }
0xbb: {  	v4 =	vld [tilespmem:$0x6A0]  }
0xbc: {  	v5 =	vld [tilespmem:$0x6B0]  }
0xbd: {  	v6 =	vld [tilespmem:$0x6C0]  }
0xbe: {  	v7 =	vld [tilespmem:$0x6D0]  }
0xbf: {  	v8 =	vld [tilespmem:$0x6E0]  }
0xc0: {  	v9 =	vld [tilespmem:$0x6F0]  }
0xc1: {  	v10 =	vld [tilespmem:$0x700]  }
0xc2: {  	v11 =	vld [tilespmem:$0x710]  }
0xc3: {  	v12 =	vld [tilespmem:$0x720]  }
0xc4: {  	v13 =	vld [tilespmem:$0x730]  }
0xc5: {  	v14 =	vld [tilespmem:$0x740]  }
0xc6: {  	v15 =	vld [tilespmem:$0x750]  }
0xc7: {  	s28 =	simm.s32 $0x2;
	v16 =	vld [tilespmem:$0x760]  }
0xc8: {  	v17 =	vld [tilespmem:$0x770];
	_ =	swait.ge [sflag:s28], $0x10  }
0xc9: {  	[sflag:s28] =	ssyncset.done $0x0  }
0xca: {  	[sflag:s28] =	ssyncadd.s32 $0xFFFFFFF0  }
0xcb: {  	_ =	swait.ge [sflag:s28], $0x10  }
0xcc: {  	[sflag:s28] =	ssyncset.done $0x0  }
0xcd: {  	[sflag:s28] =	ssyncadd.s32 $0xFFFFFFF0  }
0xce: {  	_ =	swait.ge [sflag:s28], $0x10  }
0xcf: {  	[sflag:s28] =	ssyncset.done $0x0  }
0xd0: {  	[sflag:s28] =	ssyncadd.s32 $0xFFFFFFF0  }
0xd1: {  	_ =	swait.ge [sflag:s28], $0x10  }
0xd2: {  	[sflag:s28] =	ssyncset.done $0x0  }
0xd3: {  	[sflag:s28] =	ssyncadd.s32 $0xFFFFFFF0  }
0xd4: {  	v18 =	vld [tilespmem:$0x400];
	_ =	sdelay $0x1  }
0xd5: {  	v19 =	vld [tilespmem:$0x380];
	_ =	sdelay $0x2  }
0xd6: {  	v20 =	vand.u32 $0x7FFFFF, v18  }
0xd7: {  	v20 =	vor.u32 $0x3F800000, v20  }
0xd8: {  	v22 =	vand.u32 $0x7FFFFF, v19;
	v21 =	vadd.f32 $1.000000000e+00, v20  }
0xd9: {  	v22 =	vor.u32 $0x3F800000, v22  }
0xda: {  	v41 =	vadd.f32 $1.000000000e+00, v22;
	(erf) = vrcp.f32 v21  }
0xdb: {  	(erf) = vrcp.f32 v18  }
0xdc: {  	(erf) = vrcp.f32 v41;
	_ =	sdelay $0x6  }
0xdd: {  	v2 =	vadd.f32 v40, v39;
	v42 =	vpop (erf)  }
0xde: {  	v43 =	vadd.f32 $-1.000000000e+00, v20;
	v22 =	vadd.f32 $-1.000000000e+00, v22;
	v44 =	vpop (erf)  }
0xdf: {  	v45 =	vpop (erf)  }
0xe0: {  	v2 =	vadd.f32 v4, v2;
	v3 =	vmul.f32 v42, v43;
	v4 =	vmul.f32 v45, v22;
	_ =	sdelay $0x1  }
0xe1: {  	v46 =	vmul.f32 v3, v3;
	v47 =	vmul.f32 v4, v4  }
0xe2: {  	v2 =	vadd.f32 v5, v2  }
0xe3: {  	v48 =	vmul.f32 $1.111111120e-01, v46;
	v49 =	vmul.f32 $1.111111120e-01, v47  }
0xe4: {  	v2 =	vadd.f32 v6, v2  }
0xe5: {  	v6 =	vadd.f32 $1.428571490e-01, v48;
	v50 =	vadd.f32 $1.428571490e-01, v49  }
0xe6: {  	v2 =	vadd.f32 v7, v2  }
0xe7: {  	v6 =	vmul.f32 v6, v46;
	v7 =	vmul.f32 v50, v47  }
0xe8: {  	v2 =	vadd.f32 v8, v2  }
0xe9: {  	v6 =	vadd.f32 $2.000000030e-01, v6;
	v7 =	vadd.f32 $2.000000030e-01, v7  }
0xea: {  	v2 =	vadd.f32 v9, v2  }
0xeb: {  	v51 =	vshra.s32 v18, $0x17;
	v6 =	vmul.f32 v6, v46;
	v7 =	vmul.f32 v7, v47  }
0xec: {  	v53 =	vshra.s32 v19, $0x17;
	v2 =	vadd.f32 v10, v2;
	(erf) = vrcp.f32 v19  }
0xed: {  	v8 =	vadd.s32 $0xFFFFFF81, v51;
	v6 =	vadd.f32 $3.333333430e-01, v6;
	v7 =	vadd.f32 $3.333333430e-01, v7  }
0xee: {  	v52 =	vld [tilespmem:$0x300];
	v9 =	vadd.s32 $0xFFFFFF81, v53;
	v8 =	vcvt.s32.f32 v8  }
0xef: {  	v54 =	vld [tilespmem:$0x280];
	v2 =	vadd.f32 v11, v2;
	v5 =	vmul.f32 v6, v46;
	v7 =	vmul.f32 v7, v47  }
0xf0: {  	v9 =	vcvt.s32.f32 v9;
	v3 =	vadd.f32 v3, v3;
	v4 =	vadd.f32 v4, v4  }
0xf1: {  	v5 =	vadd.f32 $1.000000000e+00, v5;
	v7 =	vadd.f32 $1.000000000e+00, v7  }
0xf2: {  	v55 =	vmul.f32 $6.931471820e-01, v8;
	v56 =	vmul.f32 $6.931471820e-01, v9;
	v2 =	vadd.f32 v12, v2  }
0xf3: {  	v0 =	vld.idx.msk [tilespmem:v0+s21+$0x0], $0xffff;
	v57 =	vadd.f32 $9.999999740e-06, v52;
	v3 =	vmul.f32 v5, v3;
	v4 =	vmul.f32 v7, v4  }
0xf4: {  	v1 =	vld.idx.msk [tilespmem:v1+s21+$0x0], $0xffff;
	v58 =	vadd.f32 $9.999999740e-06, v54;
	v2 =	vadd.f32 v13, v2  }
0xf5: {  	v59 =	vpop (erf);
	v3 =	vadd.f32 v3, v55;
	v4 =	vadd.f32 v4, v56  }
0xf6: {  	v2 =	vadd.f32 v14, v2;
	v6 =	vmul.f32 v58, v59  }
0xf7: {  	v5 =	vmul.f32 v57, v44;
	v3 =	vsub.f32 $0.0e+00, v3;
	v4 =	vsub.f32 $0.0e+00, v4  }
0xf8: {  	v2 =	vadd.f32 v15, v2  }
0xf9: {  	v60 =	vsub.s32 v1, v0;
	v3 =	vsub.f32 v3, v5;
	v4 =	vsub.f32 v4, v6  }
0xfa: {  	vm15 =	vgt.s32 v1, v0;
	vm1 =	vgt.s32 v60, $0x1;
	v2 =	vadd.f32 v16, v2  }
0xfb: {  	v0 =	vnsel vm15, $0x0, v3;
	v61 =	vnsel vm1, $0x0, v4  }
0xfc: {  	v2 =	vadd.f32 v17, v2;
	v0 =	vadd.f32 v61, v0;
	_ =	sdelay $0x1  }
0xfd: {  	v0 =	vsub.f32 v0, v2;
	_ =	sdelay $0x1  }
0xfe: {  	(xrf2) =	vadd.scan.msk.f32 $0xffff, v0;
	_ =	sdelay $0x9  }
0xff: {  	v0, _, _ =	vpop (xrf2)  }
0x100: {  	(v2sf) =	vpush v0, $0xF;
	_ =	sdelay $0xd  }
0x101: {  	v62 =	vimm.s32 $0x0  }
0x102: {  	s29 =	spop (v2sf)  }
0x103: {  	s3 =	smul.f32 $1.111111120e-01, s29;
	_ =	sdelay $0x1  }
0x104: {  	s30 =	simm.s32 $0x600;
	v63 =	vmov s3  }
0x105: {  	s31 =	simm.s32 $0x0;
	[tilespmem:v62+s30+$0x0] =	vst.idx.msk $0x1, v63  }
0x106: {  	[hbm4b:s1+s31] =	stream.linear.scatter [tilespmem:s30], [sflag:$0x4], $0x80, $0x38;
	[tilespmem:$0x990] =	vst v63  }
0x107: {  	_ =	swait.ge [sflag:s26], $0x80  }
0x108: {  	[sflag:s26] =	ssyncset.done $0x0  }
0x109: {  	[sflag:s26] =	ssyncadd.s32 $0xFFFFFF80  }
.LBB2_5:
0x10a: {  	_ =	sfence.sel $0x180000  }
0x10b: {  	[bflag:$0x0] =	sbarrier.arrive $0xFFFF  }
0x10c: {  	_ =	strace $0x90000047  }
0x10d: {  	s0 =	sadd.s32 @!p0 $0x100000, s0;
	[bflag:$0x2] =	sbarrier.arrive $0xFFFF  }
0x10e: {  	[sflag:s0] =	ssyncadd.tile.s32 @!p0 $0x1;
	_ =	shalt  }
.Lfunc_end2:
_tile_overlayer_lowered:
.L_overlay_start_2:
0x10f: {  	(tag) =	ssettag $0x2  }
0x110: {  	s0 =	rddreg [dreg:$0x0];
	s2 =	stileid.u32  }
0x111: {  	s1 =	rddreg [dreg:$0x1];
	p0 =	sne.s32 s2, $0x0  }
0x112: {  	s3 =	rddreg [dreg:$0x2];
	[bflag:$0x3] =	sbarrier.arrive $0xFFFF;
	s2 =	simm.s32 @!p0 $0x1C04  }
0x113: {  	[timem:s3], [sflag:s2] =	dma.local @!p0 [hbm:s0], s1  }
0x114: {  	s0 =	simm.s32 @!p0 $0x4  }
0x115: {  	_ =	swait.ge @!p0 [sflag:s0], s1  }
0x116: {  	s1 =	ssub.s32 @!p0 $0x0, s1;
	[sflag:s0] =	ssyncset.done @!p0 $0x0  }
0x117: {  	[sflag:s0] =	ssyncadd.s32 @!p0 s1  }
0x118: {  	[bflag:$0x3] =	sbarrier.arrive $0xFFFF  }
0x119: {  	_ =	shalt  }

</sc_bundles>
